<compile_context>
chip_gen: v7x
topology: tpu7x:2x2x1
jax: 0.10.2.dev20260603
libtpu: 0.0.44.dev20260713+nightly
codegen_flags: <defaults>
</compile_context>

<pallas_src>
import functools

import jax
import jax.numpy as jnp
import numpy as np
from jax.experimental import pallas as pl
from jax.experimental.pallas import tpu as pltpu

NPG = 9
EPS = 1e-5
SLOPE = 0.01


def _lap_eig():
    A = np.ones((NPG, NPG)) - np.eye(NPG)
    L = np.diag(A.sum(axis=1)) - A
    _, v = np.linalg.eig(L)
    v = np.real(v)
    v = v / np.linalg.norm(v, axis=0)
    return jnp.asarray(v, jnp.float32)


def _leaky(x):
    return jnp.where(x >= 0, x, SLOPE * x)


def _full_spec(shape):
    nd = len(shape)
    return pl.BlockSpec(shape, lambda i: (0,) * nd)


def _stats(ps_ref, n_rows, blk_rows, nm):
    ps = ps_ref[...]
    s, sd_, sd2 = ps[:, 0], ps[:, 1], ps[:, 2]
    mean = (blk_rows * jnp.sum(s, axis=0, keepdims=True)
            + jnp.sum(sd_, axis=0, keepdims=True)) / n_rows
    delta = mean * nm - s
    var = (jnp.sum(sd2, axis=0, keepdims=True)
           - 2.0 * jnp.sum(delta * sd_, axis=0, keepdims=True)
           + blk_rows * jnp.sum(delta * delta, axis=0, keepdims=True)) / n_rows
    return mean, jnp.sqrt(var + EPS)


def _shifted_partials(hp):
    s = jnp.mean(hp, axis=0, keepdims=True)
    d = hp - s
    return jnp.stack([s[0], jnp.sum(d, axis=0), jnp.sum(d * d, axis=0)])[None]


def _p0_kernel(gv_ref, nw1, nb1, nw2, nb2, nw3, nb3,
               gw1, gb1, gw2, gb2, gw3, gb3, w1a,
               pred_ref, u_ref, ps_ref):
    x = gv_ref[...]
    a = jnp.maximum(jnp.dot(x, nw1[...], preferred_element_type=jnp.float32) + nb1[...], 0.0)
    a = jnp.maximum(jnp.dot(a, nw2[...], preferred_element_type=jnp.float32) + nb2[...], 0.0)
    pred_ref[...] = jnp.dot(a, nw3[...], preferred_element_type=jnp.float32) + nb3[...]
    g = _leaky(jnp.dot(x, gw1[...], preferred_element_type=jnp.float32) + gb1[...])
    g = _leaky(jnp.dot(g, gw2[...], preferred_element_type=jnp.float32) + gb2[...])
    g = jnp.dot(g, gw3[...], preferred_element_type=jnp.float32) + gb3[...]
    agg = g + g
    for _ in range(7):
        agg = agg + g
    u = jnp.dot(g + agg, w1a[...], preferred_element_type=jnp.float32)
    u_ref[...] = u
    ps_ref[...] = jnp.stack([jnp.sum(u, axis=0), jnp.sum(u * u, axis=0)])[None]


def _gin_tail(t, w2, b2, pw, pb, pm, w1n, b1n, g_blk):
    h = jnp.dot(t.reshape(NPG * g_blk, 128), w2[...],
                preferred_element_type=jnp.float32) + b2[...]
    h3 = h.reshape(NPG, g_blk, 128)
    mg = jnp.mean(h3, axis=0, keepdims=True)
    out = h3 - mg * pm[...][None]
    vg = jnp.mean(out * out, axis=0, keepdims=True)
    y = _leaky(pw[...][None] * out / jnp.sqrt(vg + EPS) + pb[...][None])
    hin = y + jnp.sum(y, axis=0, keepdims=True)
    return jnp.dot(hin.reshape(NPG * g_blk, 128), w1n[...],
                   preferred_element_type=jnp.float32) + b1n[...]


def _p1_kernel(u_ref, c_ref, ps0_ref,
               n0w, n0b, n0m, w2_0, b2_0, pw, pb, pm, w1_1, b1_1,
               hp1_ref, ps_ref, *, batch_size, g_blk):
    nm = n0m[...]
    c = c_ref[...]
    sums = jnp.sum(ps0_ref[...], axis=0)
    su, su2 = sums[0:1], sums[1:2]
    sc = jnp.sum(c, axis=0, keepdims=True)
    sc2 = jnp.sum(c * c, axis=0, keepdims=True)
    n_rows = batch_size * NPG
    mean = (NPG * su + batch_size * sc) / n_rows
    eh2 = (NPG * su2 + 2.0 * su * sc + batch_size * sc2) / n_rows
    var = eh2 - mean * mean * nm * (2.0 - nm)
    sd = jnp.sqrt(var + EPS)

    hpre0 = u_ref[...][None, :, :] + c[:, None, :]
    out0 = hpre0 - (mean * nm)[None]
    t = _leaky(n0w[...][None] * out0 / sd[None] + n0b[...][None])
    hp1 = _gin_tail(t, w2_0, b2_0, pw, pb, pm, w1_1, b1_1, g_blk)
    hp1_ref[...] = hp1.reshape(NPG, g_blk, 128)
    ps_ref[...] = _shifted_partials(hp1)


def _p2_kernel(hp_ref, ps_in_ref,
               nw, nb, nm_, w2, b2, pw, pb, pm, w1n, b1n,
               hp_out_ref, ps_ref, *, n_rows, g_blk):
    nm = nm_[...]
    mean, sd = _stats(ps_in_ref, n_rows, NPG * g_blk, nm)
    out0 = hp_ref[...] - (mean * nm)[None]
    t = _leaky(nw[...][None] * out0 / sd[None] + nb[...][None])
    hp = _gin_tail(t, w2, b2, pw, pb, pm, w1n, b1n, g_blk)
    hp_out_ref[...] = hp.reshape(NPG, g_blk, 128)
    ps_ref[...] = _shifted_partials(hp)


def _p3_kernel(hp_ref, ps_in_ref,
               nw, nb, nm_, w2, b2,
               fw1, fb1, fw2, fb2, fw3, fb3,
               ew1, eb1, ew2, eb2, ew3, eb3,
               node_ref, edgef_ref, *, n_rows, g_blk, stat_blk_rows):
    nm = nm_[...]
    mean, sd = _stats(ps_in_ref, n_rows, stat_blk_rows, nm)
    out0 = hp_ref[...] - (mean * nm)[None]
    t = _leaky(nw[...][None] * out0 / sd[None] + nb[...][None])
    h = jnp.dot(t.reshape(NPG * g_blk, 128), w2[...],
                preferred_element_type=jnp.float32) + b2[...]
    a = _leaky(jnp.dot(h, fw1[...], preferred_element_type=jnp.float32) + fb1[...])
    a = _leaky(jnp.dot(a, fw2[...], preferred_element_type=jnp.float32) + fb2[...])
    node = jnp.dot(a, fw3[...], preferred_element_type=jnp.float32) + fb3[...]
    node_ref[...] = node.reshape(NPG, g_blk, 4)
    h3 = h.reshape(NPG, g_blk, 128)
    for i in range(NPG):
        nj = NPG - i
        pin = ((h3[i:] + h3[i:i + 1]) / 2.0).reshape(nj * g_blk, 128)
        e = _leaky(jnp.dot(pin, ew1[...], preferred_element_type=jnp.float32) + eb1[...])
        e = _leaky(jnp.dot(e, ew2[...], preferred_element_type=jnp.float32) + eb2[...])
        e5 = jnp.dot(e, ew3[...], preferred_element_type=jnp.float32) + eb3[...]
        edgef_ref[i, i:] = e5.reshape(nj, g_blk, 5)


def _row2(v):
    return v.reshape(1, -1)


def kernel(global_vec, batch, params):
    del batch
    b = global_vec.shape[0]
    n = b * NPG
    f32 = jnp.float32

    gin0, gin1, gin2 = params['gin']
    (nw1, nb1), (nw2, nb2), (nw3, nb3) = params['num_net']
    (gw1, gb1), (gw2, gb2), (gw3, gb3) = params['glob']
    (p0w, p0b, p0m), (p1w, p1b, p1m) = params['norms']
    (fw1, fb1), (fw2, fb2), (fw3, fb3) = params['feat']
    (ew1, eb1), (ew2, eb2), (ew3, eb3) = params['edge']

    eig = _lap_eig()
    w1a = gin0['w1'][:64]
    c = jnp.dot(eig + jnp.sum(eig, axis=0, keepdims=True),
                gin0['w1'][64:]) + gin0['b1']

    g0 = min(2048, b)
    g1 = min(512, b)
    g3 = min(128, b)
    nblk0 = b // g0
    nblk1 = b // g1
    nblk3 = b // g3

    pred, u, ps0 = pl.pallas_call(
        _p0_kernel,
        grid=(nblk0,),
        in_specs=[pl.BlockSpec((g0, 128), lambda i: (i, 0))] + [
            _full_spec(s) for s in [(128, 128), (1, 128), (128, 128), (1, 128),
                                    (128, 1), (1, 1),
                                    (128, 64), (1, 64), (64, 64), (1, 64),
                                    (64, 64), (1, 64), (64, 128)]],
        out_specs=[pl.BlockSpec((g0, 1), lambda i: (i, 0)),
                   pl.BlockSpec((g0, 128), lambda i: (i, 0)),
                   pl.BlockSpec((1, 2, 128), lambda i: (i, 0, 0))],
        out_shape=[jax.ShapeDtypeStruct((b, 1), f32),
                   jax.ShapeDtypeStruct((b, 128), f32),
                   jax.ShapeDtypeStruct((nblk0, 2, 128), f32)],
        compiler_params=pltpu.CompilerParams(dimension_semantics=("parallel",)),
    )(global_vec, nw1, _row2(nb1), nw2, _row2(nb2), nw3, _row2(nb3),
      gw1, _row2(gb1), gw2, _row2(gb2), gw3, _row2(gb3), w1a)

    hp1, ps1 = pl.pallas_call(
        functools.partial(_p1_kernel, batch_size=b, g_blk=g1),
        grid=(nblk1,),
        in_specs=[pl.BlockSpec((g1, 128), lambda i: (i, 0)),
                  _full_spec((NPG, 128)),
                  _full_spec((nblk0, 2, 128))] + [
            _full_spec(s) for s in [(1, 128)] * 3 + [(128, 128), (1, 128)]
                                    + [(1, 128)] * 3 + [(128, 128), (1, 128)]],
        out_specs=[pl.BlockSpec((NPG, g1, 128), lambda i: (0, i, 0)),
                   pl.BlockSpec((1, 3, 128), lambda i: (i, 0, 0))],
        out_shape=[jax.ShapeDtypeStruct((NPG, b, 128), f32),
                   jax.ShapeDtypeStruct((nblk1, 3, 128), f32)],
        compiler_params=pltpu.CompilerParams(dimension_semantics=("parallel",)),
    )(u, c, ps0,
      _row2(gin0['nw']), _row2(gin0['nb']), _row2(gin0['nm']), gin0['w2'], _row2(gin0['b2']),
      _row2(p0w), _row2(p0b), _row2(p0m), gin1['w1'], _row2(gin1['b1']))

    hp2, ps2 = pl.pallas_call(
        functools.partial(_p2_kernel, n_rows=n, g_blk=g1),
        grid=(nblk1,),
        in_specs=[pl.BlockSpec((NPG, g1, 128), lambda i: (0, i, 0)),
                  _full_spec((nblk1, 3, 128))] + [
            _full_spec(s) for s in [(1, 128)] * 3 + [(128, 128), (1, 128)]
                                    + [(1, 128)] * 3 + [(128, 128), (1, 128)]],
        out_specs=[pl.BlockSpec((NPG, g1, 128), lambda i: (0, i, 0)),
                   pl.BlockSpec((1, 3, 128), lambda i: (i, 0, 0))],
        out_shape=[jax.ShapeDtypeStruct((NPG, b, 128), f32),
                   jax.ShapeDtypeStruct((nblk1, 3, 128), f32)],
        compiler_params=pltpu.CompilerParams(dimension_semantics=("parallel",)),
    )(hp1, ps1,
      _row2(gin1['nw']), _row2(gin1['nb']), _row2(gin1['nm']), gin1['w2'], _row2(gin1['b2']),
      _row2(p1w), _row2(p1b), _row2(p1m), gin2['w1'], _row2(gin2['b1']))

    node, edgef = pl.pallas_call(
        functools.partial(_p3_kernel, n_rows=n, g_blk=g3, stat_blk_rows=NPG * g1),
        grid=(nblk3,),
        in_specs=[pl.BlockSpec((NPG, g3, 128), lambda i: (0, i, 0)),
                  _full_spec((nblk1, 3, 128))] + [
            _full_spec(s) for s in
            [(1, 128)] * 3 + [(128, 128), (1, 128)]
            + [(128, 128), (1, 128), (128, 128), (1, 128), (128, 4), (1, 4)]
            + [(128, 128), (1, 128), (128, 128), (1, 128), (128, 5), (1, 5)]],
        out_specs=[pl.BlockSpec((NPG, g3, 4), lambda i: (0, i, 0)),
                   pl.BlockSpec((NPG, NPG, g3, 5), lambda i: (0, 0, i, 0))],
        out_shape=[jax.ShapeDtypeStruct((NPG, b, 4), f32),
                   jax.ShapeDtypeStruct((NPG, NPG, b, 5), f32)],
        compiler_params=pltpu.CompilerParams(dimension_semantics=("parallel",)),
    )(hp2, ps2,
      _row2(gin2['nw']), _row2(gin2['nb']), _row2(gin2['nm']), gin2['w2'], _row2(gin2['b2']),
      fw1, _row2(fb1), fw2, _row2(fb2), fw3, _row2(fb3),
      ew1, _row2(eb1), ew2, _row2(eb2), ew3, _row2(eb3))

    node_out = node.transpose(1, 0, 2).reshape(n, 4)
    ef2 = edgef.reshape(NPG * NPG * b, 5)
    gs = np.arange(b, dtype=np.int64)
    pieces = [((min(i, j) * NPG + max(i, j)) * b + gs)
              for i in range(NPG) for j in range(NPG) if i != j]
    pieces.append(None)
    cross_idx = np.stack(pieces[:-1], axis=1).reshape(-1)
    loop_idx = np.stack([(i * NPG + i) * b + gs for i in range(NPG)],
                        axis=1).reshape(-1)
    idx = jnp.asarray(np.concatenate([cross_idx, loop_idx]), jnp.int32)
    edge_attr = jnp.take(ef2, idx, axis=0)
    pred_num = pred.reshape(-1)
    return node_out, edge_attr, pred_num

# --- scband reference (transcript-rebuilt; emitter-appended) ---
"""Pipeline reference for scband-decoder-27865747817086 (READ-ONLY COPY).

The authoritative reference and input builder live on the scoring server;
editing this copy changes nothing except your own understanding.
"""

import jax, jax.numpy as jnp
import numpy as np

B = 8192
NPG = 9
LAT = 128
N = B * NPG

def _lin_init(key, din, dout):
    kw, kb = jax.random.split(key)
    w = jax.random.normal(kw, (din, dout), jnp.float32) / np.sqrt(din)
    b = jax.random.normal(kb, (dout,), jnp.float32) * 0.01
    return (w, b)

def setup_inputs(seed: int = 0):
    key = jax.random.key(seed)
    ks = jax.random.split(key, 32)
    params = {}
    params['num_net'] = [_lin_init(ks[0], LAT, 128), _lin_init(ks[1], 128, 128), _lin_init(ks[2], 128, 1)]
    params['glob'] = [_lin_init(ks[3], LAT, 64), _lin_init(ks[4], 64, 64), _lin_init(ks[5], 64, 64)]
    gin = []
    din = 64 + NPG
    for i in range(3):
        w1, b1 = _lin_init(ks[6 + 2 * i], din, 128)
        w2, b2 = _lin_init(ks[7 + 2 * i], 128, 128)
        gin.append({'w1': w1, 'b1': b1, 'nw': jnp.ones((128,), jnp.float32), 'nb': jnp.zeros((128,), jnp.float32), 'nm': jnp.ones((128,), jnp.float32), 'w2': w2, 'b2': b2})
        din = 128
    params['gin'] = gin
    params['norms'] = [(jnp.ones((128,), jnp.float32), jnp.zeros((128,), jnp.float32), jnp.ones((128,), jnp.float32)) for _ in range(2)]
    params['feat'] = [_lin_init(ks[12], 128, 128), _lin_init(ks[13], 128, 128), _lin_init(ks[14], 128, 4)]
    params['edge'] = [_lin_init(ks[15], 128, 128), _lin_init(ks[16], 128, 128), _lin_init(ks[17], 128, 5)]
    global_vec = jax.random.normal(ks[18], (B, LAT), jnp.float32)
    batch = jnp.arange(N, dtype=jnp.int32) // NPG
    return {'global_vec': global_vec, 'batch': batch, 'params': params}

def _mlp(x, layers, act):
    n = len(layers)
    for i, (w, b) in enumerate(layers):
        x = x @ w + b
        if i < n - 1:
            x = act(x)
    return x

def _graph_norm(x, weight, bias, mean_scale, batch=None, num_graphs=None, eps=1e-5):
    if batch is None:
        mean = jnp.mean(x, axis=0, keepdims=True)
        out = x - mean * mean_scale
        var = jnp.mean(out * out, axis=0, keepdims=True)
        return weight * out / jnp.sqrt(var + eps) + bias
    ones = jnp.ones((x.shape[0], 1), x.dtype)
    cnt = jax.ops.segment_sum(ones, batch, num_segments=num_graphs)
    mean = jax.ops.segment_sum(x, batch, num_segments=num_graphs) / cnt
    out = x - mean[batch] * mean_scale
    var = jax.ops.segment_sum(out * out, batch, num_segments=num_graphs) / cnt
    return weight * out / jnp.sqrt(var + eps)[batch] + bias

def _gin_conv(x, src, dst, p):
    agg = jax.ops.segment_sum(x[src], dst, num_segments=x.shape[0])
    h = x + agg
    h = h @ p['w1'] + p['b1']
    h = _graph_norm(h, p['nw'], p['nb'], p['nm'])
    h = jax.nn.leaky_relu(h, 0.01)
    h = h @ p['w2'] + p['b2']
    return h

def _edges(num_graphs, n_total):
    ii, jj = np.meshgrid(np.arange(NPG), np.arange(NPG), indexing='ij')
    m = ii != jj
    bs = jnp.asarray(ii[m], jnp.int32)
    bd = jnp.asarray(jj[m], jnp.int32)
    offs = jnp.arange(num_graphs, dtype=jnp.int32) * NPG
    src = (offs[:, None] + bs[None, :]).reshape(-1)
    dst = (offs[:, None] + bd[None, :]).reshape(-1)
    loops = jnp.arange(n_total, dtype=jnp.int32)
    return jnp.concatenate([src, loops]), jnp.concatenate([dst, loops])

def _lap_eig():
    A = np.ones((NPG, NPG)) - np.eye(NPG)
    L = np.diag(A.sum(axis=1)) - A
    _, v = np.linalg.eig(L)
    v = np.real(v)
    v = v / np.linalg.norm(v, axis=0)
    return jnp.asarray(v, jnp.float32)

def _forward(global_vec, batch, params, src, dst):
    leaky = lambda t: jax.nn.leaky_relu(t, 0.01)
    num_graphs = global_vec.shape[0]
    pred_num = _mlp(global_vec, params['num_net'], jax.nn.relu).reshape(-1)
    g = _mlp(global_vec, params['glob'], leaky)
    eig = _lap_eig()
    x = jnp.concatenate([jnp.repeat(g, NPG, axis=0), jnp.tile(eig, (num_graphs, 1))], axis=1)
    h = x
    for i in range(3):
        h = _gin_conv(h, src, dst, params['gin'][i])
        if i < 2:
            w, b, ms = params['norms'][i]
            h = _graph_norm(h, w, b, ms, batch=batch, num_graphs=num_graphs)
            h = leaky(h)
    edge_attr = (h[src] + h[dst]) / 2.0
    edge_attr = _mlp(edge_attr, params['edge'], leaky)
    node_out = _mlp(h, params['feat'], leaky)
    return node_out, edge_attr, pred_num

def reference(global_vec, batch, params):
    src, dst = _edges(global_vec.shape[0], batch.shape[0])
    return _forward(global_vec, batch, params, src, dst)

if __name__ == "__main__":
    import jax
    _d = setup_inputs()
    print(jax.jit(kernel)(*tuple(_d.values())))

</pallas_src>

<mosaic_0001>
module attributes {stable_mosaic.version = 14 : i64} {
  func.func @_p1_kernel(%arg0: i32, %arg1: memref<512x128xf32, #tpu.memory_space<vmem>>, %arg2: memref<9x128xf32, #tpu.memory_space<vmem>>, %arg3: memref<4x2x128xf32, #tpu.memory_space<vmem>>, %arg4: memref<1x128xf32, #tpu.memory_space<vmem>>, %arg5: memref<1x128xf32, #tpu.memory_space<vmem>>, %arg6: memref<1x128xf32, #tpu.memory_space<vmem>>, %arg7: memref<128x128xf32, #tpu.memory_space<vmem>>, %arg8: memref<1x128xf32, #tpu.memory_space<vmem>>, %arg9: memref<1x128xf32, #tpu.memory_space<vmem>>, %arg10: memref<1x128xf32, #tpu.memory_space<vmem>>, %arg11: memref<1x128xf32, #tpu.memory_space<vmem>>, %arg12: memref<128x128xf32, #tpu.memory_space<vmem>>, %arg13: memref<1x128xf32, #tpu.memory_space<vmem>>, %arg14: memref<9x512x128xf32, #tpu.memory_space<vmem>>, %arg15: memref<1x3x128xf32, #tpu.memory_space<vmem>>) attributes {dimension_semantics = [#tpu.dimension_semantics<parallel>], iteration_bounds = array<i64: 16>, scalar_prefetch = 0 : i64, scratch_operands = 0 : i64, tpu.core_type = #tpu.core_type<tc>, window_params = [{transform_indices = @transform_0, window_bounds = array<i64: 512, 128>}, {pipeline_mode = #tpu.pipeline_mode<synchronous>, transform_indices = @transform_1, window_bounds = array<i64: 9, 128>}, {pipeline_mode = #tpu.pipeline_mode<synchronous>, transform_indices = @transform_2, window_bounds = array<i64: 4, 2, 128>}, {pipeline_mode = #tpu.pipeline_mode<synchronous>, transform_indices = @transform_3, window_bounds = array<i64: 1, 128>}, {pipeline_mode = #tpu.pipeline_mode<synchronous>, transform_indices = @transform_4, window_bounds = array<i64: 1, 128>}, {pipeline_mode = #tpu.pipeline_mode<synchronous>, transform_indices = @transform_5, window_bounds = array<i64: 1, 128>}, {pipeline_mode = #tpu.pipeline_mode<synchronous>, transform_indices = @transform_6, window_bounds = array<i64: 128, 128>}, {pipeline_mode = #tpu.pipeline_mode<synchronous>, transform_indices = @transform_7, window_bounds = array<i64: 1, 128>}, {pipeline_mode = #tpu.pipeline_mode<synchronous>, transform_indices = @transform_8, window_bounds = array<i64: 1, 128>}, {pipeline_mode = #tpu.pipeline_mode<synchronous>, transform_indices = @transform_9, window_bounds = array<i64: 1, 128>}, {pipeline_mode = #tpu.pipeline_mode<synchronous>, transform_indices = @transform_10, window_bounds = array<i64: 1, 128>}, {pipeline_mode = #tpu.pipeline_mode<synchronous>, transform_indices = @transform_11, window_bounds = array<i64: 128, 128>}, {pipeline_mode = #tpu.pipeline_mode<synchronous>, transform_indices = @transform_12, window_bounds = array<i64: 1, 128>}, {transform_indices = @transform_13, window_bounds = array<i64: 9, 512, 128>}, {transform_indices = @transform_14, window_bounds = array<i64: 1, 3, 128>}]} {
    %get3A = arith.constant 0 : index
    %get3A_0 = arith.constant 0 : index
    %get3A_1 = vector.load %arg6[%get3A, %get3A_0] : memref<1x128xf32, #tpu.memory_space<vmem>>, vector<1x128xf32>
    %get3A_2 = arith.constant 0 : index
    %get3A_3 = arith.constant 0 : index
    %get3A_4 = vector.load %arg2[%get3A_2, %get3A_3] : memref<9x128xf32, #tpu.memory_space<vmem>>, vector<9x128xf32>
    %get3A_5 = arith.constant 0 : index
    %get3A_6 = arith.constant 0 : index
    %get3A_7 = arith.constant 0 : index
    %get3A_8 = vector.load %arg3[%get3A_5, %get3A_6, %get3A_7] : memref<4x2x128xf32, #tpu.memory_space<vmem>>, vector<4x2x128xf32>
    %reduce_sum3A = arith.constant dense<0.000000e+00> : vector<2x128xf32>
    %reduce_sum3A_9 = vector.multi_reduction <add>, %get3A_8, %reduce_sum3A [0] : vector<4x2x128xf32> to vector<2x128xf32>
    %slice3A = vector.extract_strided_slice %reduce_sum3A_9 {offsets = [0, 0], sizes = [1, 128], strides = [1, 1]} : vector<2x128xf32> to vector<1x128xf32>
    %slice3A_10 = vector.extract_strided_slice %reduce_sum3A_9 {offsets = [1, 0], sizes = [1, 128], strides = [1, 1]} : vector<2x128xf32> to vector<1x128xf32>
    %reduce_sum3A_11 = arith.constant dense<0.000000e+00> : vector<128xf32>
    %reduce_sum3A_12 = vector.multi_reduction <add>, %get3A_4, %reduce_sum3A_11 [0] : vector<9x128xf32> to vector<128xf32>
    %broadcast_in_dim3A = vector.shape_cast %reduce_sum3A_12 : vector<128xf32> to vector<1x128xf32>
    %mul3A = arith.mulf %get3A_4, %get3A_4 : vector<9x128xf32>
    %reduce_sum3A_13 = arith.constant dense<0.000000e+00> : vector<128xf32>
    %reduce_sum3A_14 = vector.multi_reduction <add>, %mul3A, %reduce_sum3A_13 [0] : vector<9x128xf32> to vector<128xf32>
    %broadcast_in_dim3A_15 = vector.shape_cast %reduce_sum3A_14 : vector<128xf32> to vector<1x128xf32>
    %mul3A_16 = arith.constant 9.000000e+00 : f32
    %mul3A_17 = vector.broadcast %mul3A_16 : f32 to vector<1x128xf32>
    %mul3A_18 = arith.mulf %mul3A_17, %slice3A : vector<1x128xf32>
    %mul3A_19 = arith.constant 8.192000e+03 : f32
    %mul3A_20 = vector.broadcast %mul3A_19 : f32 to vector<1x128xf32>
    %mul3A_21 = arith.mulf %mul3A_20, %broadcast_in_dim3A : vector<1x128xf32>
    %add3A = arith.addf %mul3A_18, %mul3A_21 : vector<1x128xf32>
    %div3A = arith.constant 7.372800e+04 : f32
    %div3A_22 = vector.broadcast %div3A : f32 to vector<1x128xf32>
    %div3A_23 = arith.divf %add3A, %div3A_22 : vector<1x128xf32>
    %mul3A_24 = arith.constant 9.000000e+00 : f32
    %mul3A_25 = vector.broadcast %mul3A_24 : f32 to vector<1x128xf32>
    %mul3A_26 = arith.mulf %mul3A_25, %slice3A_10 : vector<1x128xf32>
    %mul3A_27 = arith.constant 2.000000e+00 : f32
    %mul3A_28 = vector.broadcast %mul3A_27 : f32 to vector<1x128xf32>
    %mul3A_29 = arith.mulf %mul3A_28, %slice3A : vector<1x128xf32>
    %mul3A_30 = arith.mulf %mul3A_29, %broadcast_in_dim3A : vector<1x128xf32>
    %add3A_31 = arith.addf %mul3A_26, %mul3A_30 : vector<1x128xf32>
    %mul3A_32 = arith.constant 8.192000e+03 : f32
    %mul3A_33 = vector.broadcast %mul3A_32 : f32 to vector<1x128xf32>
    %mul3A_34 = arith.mulf %mul3A_33, %broadcast_in_dim3A_15 : vector<1x128xf32>
    %add3A_35 = arith.addf %add3A_31, %mul3A_34 : vector<1x128xf32>
    %div3A_36 = arith.constant 7.372800e+04 : f32
    %div3A_37 = vector.broadcast %div3A_36 : f32 to vector<1x128xf32>
    %div3A_38 = arith.divf %add3A_35, %div3A_37 : vector<1x128xf32>
    %mul3A_39 = arith.mulf %div3A_23, %div3A_23 : vector<1x128xf32>
    %mul3A_40 = arith.mulf %mul3A_39, %get3A_1 : vector<1x128xf32>
    %sub3A = arith.constant 2.000000e+00 : f32
    %sub3A_41 = vector.broadcast %sub3A : f32 to vector<1x128xf32>
    %sub3A_42 = arith.subf %sub3A_41, %get3A_1 : vector<1x128xf32>
    %mul3A_43 = arith.mulf %mul3A_40, %sub3A_42 : vector<1x128xf32>
    %sub3A_44 = arith.subf %div3A_38, %mul3A_43 : vector<1x128xf32>
    %add3A_45 = arith.constant 9.99999974E-6 : f32
    %add3A_46 = vector.broadcast %add3A_45 : f32 to vector<1x128xf32>
    %add3A_47 = arith.addf %sub3A_44, %add3A_46 : vector<1x128xf32>
    %sqrt3A = math.sqrt %add3A_47 : vector<1x128xf32>
    %get3A_48 = arith.constant 0 : index
    %get3A_49 = arith.constant 0 : index
    %get3A_50 = vector.load %arg1[%get3A_48, %get3A_49] : memref<512x128xf32, #tpu.memory_space<vmem>>, vector<512x128xf32>
    %broadcast_in_dim3A_51 = vector.shape_cast %get3A_50 : vector<512x128xf32> to vector<1x512x128xf32>
    %broadcast_in_dim3A_52 = vector.shape_cast %get3A_4 : vector<9x128xf32> to vector<9x1x128xf32>
    %add3A_53 = vector.broadcast %broadcast_in_dim3A_51 : vector<1x512x128xf32> to vector<9x512x128xf32>
    %add3A_54 = vector.broadcast %broadcast_in_dim3A_52 : vector<9x1x128xf32> to vector<9x512x128xf32>
    %add3A_55 = arith.addf %add3A_53, %add3A_54 : vector<9x512x128xf32>
    %mul3A_56 = arith.mulf %div3A_23, %get3A_1 : vector<1x128xf32>
    %broadcast_in_dim3A_57 = vector.shape_cast %mul3A_56 : vector<1x128xf32> to vector<1x1x128xf32>
    %sub3A_58 = vector.broadcast %broadcast_in_dim3A_57 : vector<1x1x128xf32> to vector<9x512x128xf32>
    %sub3A_59 = arith.subf %add3A_55, %sub3A_58 : vector<9x512x128xf32>
    %get3A_60 = arith.constant 0 : index
    %get3A_61 = arith.constant 0 : index
    %get3A_62 = vector.load %arg4[%get3A_60, %get3A_61] : memref<1x128xf32, #tpu.memory_space<vmem>>, vector<1x128xf32>
    %broadcast_in_dim3A_63 = vector.shape_cast %get3A_62 : vector<1x128xf32> to vector<1x1x128xf32>
    %mul3A_64 = vector.broadcast %broadcast_in_dim3A_63 : vector<1x1x128xf32> to vector<9x512x128xf32>
    %mul3A_65 = arith.mulf %mul3A_64, %sub3A_59 : vector<9x512x128xf32>
    %broadcast_in_dim3A_66 = vector.shape_cast %sqrt3A : vector<1x128xf32> to vector<1x1x128xf32>
    %div3A_67 = vector.broadcast %broadcast_in_dim3A_66 : vector<1x1x128xf32> to vector<9x512x128xf32>
    %div3A_68 = arith.divf %mul3A_65, %div3A_67 : vector<9x512x128xf32>
    %get3A_69 = arith.constant 0 : index
    %get3A_70 = arith.constant 0 : index
    %get3A_71 = vector.load %arg5[%get3A_69, %get3A_70] : memref<1x128xf32, #tpu.memory_space<vmem>>, vector<1x128xf32>
    %broadcast_in_dim3A_72 = vector.shape_cast %get3A_71 : vector<1x128xf32> to vector<1x1x128xf32>
    %add3A_73 = vector.broadcast %broadcast_in_dim3A_72 : vector<1x1x128xf32> to vector<9x512x128xf32>
    %add3A_74 = arith.addf %div3A_68, %add3A_73 : vector<9x512x128xf32>
    %ge3A = arith.constant 0.000000e+00 : f32
    %ge3A_75 = vector.broadcast %ge3A : f32 to vector<9x512x128xf32>
    %ge3A_76 = arith.cmpf oge, %add3A_74, %ge3A_75 : vector<9x512x128xf32>
    %mul3A_77 = arith.constant 0.00999999977 : f32
    %mul3A_78 = vector.broadcast %mul3A_77 : f32 to vector<9x512x128xf32>
    %mul3A_79 = arith.mulf %mul3A_78, %add3A_74 : vector<9x512x128xf32>
    %select_n3A = arith.select %ge3A_76, %add3A_74, %mul3A_79 : vector<9x512x128xi1>, vector<9x512x128xf32>
    %reshape3A = vector.shape_cast %select_n3A : vector<9x512x128xf32> to vector<4608x128xf32>
    %get3A_80 = arith.constant 0 : index
    %get3A_81 = arith.constant 0 : index
    %get3A_82 = vector.load %arg7[%get3A_80, %get3A_81] : memref<128x128xf32, #tpu.memory_space<vmem>>, vector<128x128xf32>
    %dot_general3A = arith.constant dense<0.000000e+00> : vector<4608x128xf32>
    %dot_general3A_83 = tpu.matmul %reshape3A, %get3A_82, %dot_general3A {dimension_numbers = #tpu.dot_dimension_numbers<[1], [0], [0], [1], [0, 0, 1, 1], [], []>, transpose_lhs_hint = false} : vector<4608x128xf32>, vector<128x128xf32>, vector<4608x128xf32> -> vector<4608x128xf32>
    %get3A_84 = arith.constant 0 : index
    %get3A_85 = arith.constant 0 : index
    %get3A_86 = vector.load %arg8[%get3A_84, %get3A_85] : memref<1x128xf32, #tpu.memory_space<vmem>>, vector<1x128xf32>
    %add3A_87 = vector.broadcast %get3A_86 : vector<1x128xf32> to vector<4608x128xf32>
    %add3A_88 = arith.addf %dot_general3A_83, %add3A_87 : vector<4608x128xf32>
    %reshape3A_89 = vector.shape_cast %add3A_88 : vector<4608x128xf32> to vector<9x512x128xf32>
    %reduce_sum3A_90 = arith.constant dense<0.000000e+00> : vector<512x128xf32>
    %reduce_sum3A_91 = vector.multi_reduction <add>, %reshape3A_89, %reduce_sum3A_90 [0] : vector<9x512x128xf32> to vector<512x128xf32>
    %broadcast_in_dim3A_92 = vector.shape_cast %reduce_sum3A_91 : vector<512x128xf32> to vector<1x512x128xf32>
    %div3A_93 = arith.constant 9.000000e+00 : f32
    %div3A_94 = vector.broadcast %div3A_93 : f32 to vector<1x512x128xf32>
    %div3A_95 = arith.divf %broadcast_in_dim3A_92, %div3A_94 : vector<1x512x128xf32>
    %get3A_96 = arith.constant 0 : index
    %get3A_97 = arith.constant 0 : index
    %get3A_98 = vector.load %arg11[%get3A_96, %get3A_97] : memref<1x128xf32, #tpu.memory_space<vmem>>, vector<1x128xf32>
    %broadcast_in_dim3A_99 = vector.shape_cast %get3A_98 : vector<1x128xf32> to vector<1x1x128xf32>
    %mul3A_100 = vector.broadcast %broadcast_in_dim3A_99 : vector<1x1x128xf32> to vector<1x512x128xf32>
    %mul3A_101 = arith.mulf %div3A_95, %mul3A_100 : vector<1x512x128xf32>
    %sub3A_102 = vector.broadcast %mul3A_101 : vector<1x512x128xf32> to vector<9x512x128xf32>
    %sub3A_103 = arith.subf %reshape3A_89, %sub3A_102 : vector<9x512x128xf32>
    %mul3A_104 = arith.mulf %sub3A_103, %sub3A_103 : vector<9x512x128xf32>
    %reduce_sum3A_105 = arith.constant dense<0.000000e+00> : vector<512x128xf32>
    %reduce_sum3A_106 = vector.multi_reduction <add>, %mul3A_104, %reduce_sum3A_105 [0] : vector<9x512x128xf32> to vector<512x128xf32>
    %broadcast_in_dim3A_107 = vector.shape_cast %reduce_sum3A_106 : vector<512x128xf32> to vector<1x512x128xf32>
    %div3A_108 = arith.constant 9.000000e+00 : f32
    %div3A_109 = vector.broadcast %div3A_108 : f32 to vector<1x512x128xf32>
    %div3A_110 = arith.divf %broadcast_in_dim3A_107, %div3A_109 : vector<1x512x128xf32>
    %get3A_111 = arith.constant 0 : index
    %get3A_112 = arith.constant 0 : index
    %get3A_113 = vector.load %arg9[%get3A_111, %get3A_112] : memref<1x128xf32, #tpu.memory_space<vmem>>, vector<1x128xf32>
    %broadcast_in_dim3A_114 = vector.shape_cast %get3A_113 : vector<1x128xf32> to vector<1x1x128xf32>
    %mul3A_115 = vector.broadcast %broadcast_in_dim3A_114 : vector<1x1x128xf32> to vector<9x512x128xf32>
    %mul3A_116 = arith.mulf %mul3A_115, %sub3A_103 : vector<9x512x128xf32>
    %add3A_117 = arith.constant 9.99999974E-6 : f32
    %add3A_118 = vector.broadcast %add3A_117 : f32 to vector<1x512x128xf32>
    %add3A_119 = arith.addf %div3A_110, %add3A_118 : vector<1x512x128xf32>
    %sqrt3A_120 = math.sqrt %add3A_119 : vector<1x512x128xf32>
    %div3A_121 = vector.broadcast %sqrt3A_120 : vector<1x512x128xf32> to vector<9x512x128xf32>
    %div3A_122 = arith.divf %mul3A_116, %div3A_121 : vector<9x512x128xf32>
    %get3A_123 = arith.constant 0 : index
    %get3A_124 = arith.constant 0 : index
    %get3A_125 = vector.load %arg10[%get3A_123, %get3A_124] : memref<1x128xf32, #tpu.memory_space<vmem>>, vector<1x128xf32>
    %broadcast_in_dim3A_126 = vector.shape_cast %get3A_125 : vector<1x128xf32> to vector<1x1x128xf32>
    %add3A_127 = vector.broadcast %broadcast_in_dim3A_126 : vector<1x1x128xf32> to vector<9x512x128xf32>
    %add3A_128 = arith.addf %div3A_122, %add3A_127 : vector<9x512x128xf32>
    %ge3A_129 = arith.constant 0.000000e+00 : f32
    %ge3A_130 = vector.broadcast %ge3A_129 : f32 to vector<9x512x128xf32>
    %ge3A_131 = arith.cmpf oge, %add3A_128, %ge3A_130 : vector<9x512x128xf32>
    %mul3A_132 = arith.constant 0.00999999977 : f32
    %mul3A_133 = vector.broadcast %mul3A_132 : f32 to vector<9x512x128xf32>
    %mul3A_134 = arith.mulf %mul3A_133, %add3A_128 : vector<9x512x128xf32>
    %select_n3A_135 = arith.select %ge3A_131, %add3A_128, %mul3A_134 : vector<9x512x128xi1>, vector<9x512x128xf32>
    %reduce_sum3A_136 = arith.constant dense<0.000000e+00> : vector<512x128xf32>
    %reduce_sum3A_137 = vector.multi_reduction <add>, %select_n3A_135, %reduce_sum3A_136 [0] : vector<9x512x128xf32> to vector<512x128xf32>
    %broadcast_in_dim3A_138 = vector.shape_cast %reduce_sum3A_137 : vector<512x128xf32> to vector<1x512x128xf32>
    %add3A_139 = vector.broadcast %broadcast_in_dim3A_138 : vector<1x512x128xf32> to vector<9x512x128xf32>
    %add3A_140 = arith.addf %select_n3A_135, %add3A_139 : vector<9x512x128xf32>
    %reshape3A_141 = vector.shape_cast %add3A_140 : vector<9x512x128xf32> to vector<4608x128xf32>
    %get3A_142 = arith.constant 0 : index
    %get3A_143 = arith.constant 0 : index
    %get3A_144 = vector.load %arg12[%get3A_142, %get3A_143] : memref<128x128xf32, #tpu.memory_space<vmem>>, vector<128x128xf32>
    %dot_general3A_145 = arith.constant dense<0.000000e+00> : vector<4608x128xf32>
    %dot_general3A_146 = tpu.matmul %reshape3A_141, %get3A_144, %dot_general3A_145 {dimension_numbers = #tpu.dot_dimension_numbers<[1], [0], [0], [1], [0, 0, 1, 1], [], []>, transpose_lhs_hint = false} : vector<4608x128xf32>, vector<128x128xf32>, vector<4608x128xf32> -> vector<4608x128xf32>
    %get3A_147 = arith.constant 0 : index
    %get3A_148 = arith.constant 0 : index
    %get3A_149 = vector.load %arg13[%get3A_147, %get3A_148] : memref<1x128xf32, #tpu.memory_space<vmem>>, vector<1x128xf32>
    %add3A_150 = vector.broadcast %get3A_149 : vector<1x128xf32> to vector<4608x128xf32>
    %add3A_151 = arith.addf %dot_general3A_146, %add3A_150 : vector<4608x128xf32>
    %reshape3A_152 = vector.shape_cast %add3A_151 : vector<4608x128xf32> to vector<9x512x128xf32>
    %swap3A = arith.constant 0 : index
    %swap3A_153 = arith.constant 0 : index
    %swap3A_154 = arith.constant 0 : index
    %swap3A_155 = vector.load %arg14[%swap3A, %swap3A_153, %swap3A_154] : memref<9x512x128xf32, #tpu.memory_space<vmem>>, vector<9x512x128xf32>
    tpu.vector_store %arg14[%swap3A, %swap3A_153, %swap3A_154], %reshape3A_152 {strides = array<i32>} : memref<9x512x128xf32, #tpu.memory_space<vmem>>, vector<9x512x128xf32>,
    %reduce_sum3A_156 = arith.constant dense<0.000000e+00> : vector<128xf32>
    %reduce_sum3A_157 = vector.multi_reduction <add>, %add3A_151, %reduce_sum3A_156 [0] : vector<4608x128xf32> to vector<128xf32>
    %broadcast_in_dim3A_158 = vector.shape_cast %reduce_sum3A_157 : vector<128xf32> to vector<1x128xf32>
    %div3A_159 = arith.constant 4.608000e+03 : f32
    %div3A_160 = vector.broadcast %div3A_159 : f32 to vector<1x128xf32>
    %div3A_161 = arith.divf %broadcast_in_dim3A_158, %div3A_160 : vector<1x128xf32>
    %sub3A_162 = vector.broadcast %div3A_161 : vector<1x128xf32> to vector<4608x128xf32>
    %sub3A_163 = arith.subf %add3A_151, %sub3A_162 : vector<4608x128xf32>
    %squeeze3A = vector.shape_cast %div3A_161 : vector<1x128xf32> to vector<128xf32>
    %reduce_sum3A_164 = arith.constant dense<0.000000e+00> : vector<128xf32>
    %reduce_sum3A_165 = vector.multi_reduction <add>, %sub3A_163, %reduce_sum3A_164 [0] : vector<4608x128xf32> to vector<128xf32>
    %mul3A_166 = arith.mulf %sub3A_163, %sub3A_163 : vector<4608x128xf32>
    %reduce_sum3A_167 = arith.constant dense<0.000000e+00> : vector<128xf32>
    %reduce_sum3A_168 = vector.multi_reduction <add>, %mul3A_166, %reduce_sum3A_167 [0] : vector<4608x128xf32> to vector<128xf32>
    %stack3A = vector.shape_cast %squeeze3A : vector<128xf32> to vector<1x128xf32>
    %stack3A_169 = vector.shape_cast %reduce_sum3A_165 : vector<128xf32> to vector<1x128xf32>
    %stack3A_170 = vector.shape_cast %reduce_sum3A_168 : vector<128xf32> to vector<1x128xf32>
    %stack3A_171 = tpu.concatenate %stack3A, %stack3A_169, %stack3A_170 in 0 : vector<1x128xf32>, vector<1x128xf32>, vector<1x128xf32> -> vector<3x128xf32>
    %broadcast_in_dim3A_172 = vector.shape_cast %stack3A_171 : vector<3x128xf32> to vector<1x3x128xf32>
    %swap3A_173 = arith.constant 0 : index
    %swap3A_174 = arith.constant 0 : index
    %swap3A_175 = arith.constant 0 : index
    %swap3A_176 = vector.load %arg15[%swap3A_173, %swap3A_174, %swap3A_175] : memref<1x3x128xf32, #tpu.memory_space<vmem>>, vector<1x3x128xf32>
    tpu.vector_store %arg15[%swap3A_173, %swap3A_174, %swap3A_175], %broadcast_in_dim3A_172 {strides = array<i32>} : memref<1x3x128xf32, #tpu.memory_space<vmem>>, vector<1x3x128xf32>,
    return
  }
  func.func @transform_0(%arg0: i32) -> (i32, i32) {
    %c0_i32 = arith.constant 0 : i32
    %c0_i32_0 = arith.constant 0 : i32
    return %arg0, %c0_i32 : i32, i32
  }
  func.func @transform_1(%arg0: i32) -> (i32, i32) {
    %c0_i32 = arith.constant 0 : i32
    %c0_i32_0 = arith.constant 0 : i32
    %c0_i32_1 = arith.constant 0 : i32
    return %c0_i32, %c0_i32_0 : i32, i32
  }
  func.func @transform_2(%arg0: i32) -> (i32, i32, i32) {
    %c0_i32 = arith.constant 0 : i32
    %c0_i32_0 = arith.constant 0 : i32
    %c0_i32_1 = arith.constant 0 : i32
    %c0_i32_2 = arith.constant 0 : i32
    return %c0_i32, %c0_i32_0, %c0_i32_1 : i32, i32, i32
  }
  func.func @transform_3(%arg0: i32) -> (i32, i32) {
    %c0_i32 = arith.constant 0 : i32
    %c0_i32_0 = arith.constant 0 : i32
    %c0_i32_1 = arith.constant 0 : i32
    return %c0_i32, %c0_i32_0 : i32, i32
  }
  func.func @transform_4(%arg0: i32) -> (i32, i32) {
    %c0_i32 = arith.constant 0 : i32
    %c0_i32_0 = arith.constant 0 : i32
    %c0_i32_1 = arith.constant 0 : i32
    return %c0_i32, %c0_i32_0 : i32, i32
  }
  func.func @transform_5(%arg0: i32) -> (i32, i32) {
    %c0_i32 = arith.constant 0 : i32
    %c0_i32_0 = arith.constant 0 : i32
    %c0_i32_1 = arith.constant 0 : i32
    return %c0_i32, %c0_i32_0 : i32, i32
  }
  func.func @transform_6(%arg0: i32) -> (i32, i32) {
    %c0_i32 = arith.constant 0 : i32
    %c0_i32_0 = arith.constant 0 : i32
    %c0_i32_1 = arith.constant 0 : i32
    return %c0_i32, %c0_i32_0 : i32, i32
  }
  func.func @transform_7(%arg0: i32) -> (i32, i32) {
    %c0_i32 = arith.constant 0 : i32
    %c0_i32_0 = arith.constant 0 : i32
    %c0_i32_1 = arith.constant 0 : i32
    return %c0_i32, %c0_i32_0 : i32, i32
  }
  func.func @transform_8(%arg0: i32) -> (i32, i32) {
    %c0_i32 = arith.constant 0 : i32
    %c0_i32_0 = arith.constant 0 : i32
    %c0_i32_1 = arith.constant 0 : i32
    return %c0_i32, %c0_i32_0 : i32, i32
  }
  func.func @transform_9(%arg0: i32) -> (i32, i32) {
    %c0_i32 = arith.constant 0 : i32
    %c0_i32_0 = arith.constant 0 : i32
    %c0_i32_1 = arith.constant 0 : i32
    return %c0_i32, %c0_i32_0 : i32, i32
  }
  func.func @transform_10(%arg0: i32) -> (i32, i32) {
    %c0_i32 = arith.constant 0 : i32
    %c0_i32_0 = arith.constant 0 : i32
    %c0_i32_1 = arith.constant 0 : i32
    return %c0_i32, %c0_i32_0 : i32, i32
  }
  func.func @transform_11(%arg0: i32) -> (i32, i32) {
    %c0_i32 = arith.constant 0 : i32
    %c0_i32_0 = arith.constant 0 : i32
    %c0_i32_1 = arith.constant 0 : i32
    return %c0_i32, %c0_i32_0 : i32, i32
  }
  func.func @transform_12(%arg0: i32) -> (i32, i32) {
    %c0_i32 = arith.constant 0 : i32
    %c0_i32_0 = arith.constant 0 : i32
    %c0_i32_1 = arith.constant 0 : i32
    return %c0_i32, %c0_i32_0 : i32, i32
  }
  func.func @transform_13(%arg0: i32) -> (i32, i32, i32) {
    %c0_i32 = arith.constant 0 : i32
    %c0_i32_0 = arith.constant 0 : i32
    %c0_i32_1 = arith.constant 0 : i32
    return %c0_i32, %arg0, %c0_i32_0 : i32, i32, i32
  }
  func.func @transform_14(%arg0: i32) -> (i32, i32, i32) {
    %c0_i32 = arith.constant 0 : i32
    %c0_i32_0 = arith.constant 0 : i32
    %c0_i32_1 = arith.constant 0 : i32
    return %arg0, %c0_i32, %c0_i32_0 : i32, i32, i32
  }
}

module attributes {stable_mosaic.version = 14 : i64} {
  func.func @_p0_kernel(%arg0: i32, %arg1: memref<2048x128xf32, #tpu.memory_space<vmem>>, %arg2: memref<128x128xf32, #tpu.memory_space<vmem>>, %arg3: memref<1x128xf32, #tpu.memory_space<vmem>>, %arg4: memref<128x128xf32, #tpu.memory_space<vmem>>, %arg5: memref<1x128xf32, #tpu.memory_space<vmem>>, %arg6: memref<128x1xf32, #tpu.memory_space<vmem>>, %arg7: memref<1x1xf32, #tpu.memory_space<vmem>>, %arg8: memref<128x64xf32, #tpu.memory_space<vmem>>, %arg9: memref<1x64xf32, #tpu.memory_space<vmem>>, %arg10: memref<64x64xf32, #tpu.memory_space<vmem>>, %arg11: memref<1x64xf32, #tpu.memory_space<vmem>>, %arg12: memref<64x64xf32, #tpu.memory_space<vmem>>, %arg13: memref<1x64xf32, #tpu.memory_space<vmem>>, %arg14: memref<64x128xf32, #tpu.memory_space<vmem>>, %arg15: memref<2048x1xf32, #tpu.memory_space<vmem>>, %arg16: memref<2048x128xf32, #tpu.memory_space<vmem>>, %arg17: memref<1x2x128xf32, #tpu.memory_space<vmem>>) attributes {dimension_semantics = [#tpu.dimension_semantics<parallel>], iteration_bounds = array<i64: 4>, scalar_prefetch = 0 : i64, scratch_operands = 0 : i64, tpu.core_type = #tpu.core_type<tc>, window_params = [{transform_indices = @transform_0, window_bounds = array<i64: 2048, 128>}, {pipeline_mode = #tpu.pipeline_mode<synchronous>, transform_indices = @transform_1, window_bounds = array<i64: 128, 128>}, {pipeline_mode = #tpu.pipeline_mode<synchronous>, transform_indices = @transform_2, window_bounds = array<i64: 1, 128>}, {pipeline_mode = #tpu.pipeline_mode<synchronous>, transform_indices = @transform_3, window_bounds = array<i64: 128, 128>}, {pipeline_mode = #tpu.pipeline_mode<synchronous>, transform_indices = @transform_4, window_bounds = array<i64: 1, 128>}, {pipeline_mode = #tpu.pipeline_mode<synchronous>, transform_indices = @transform_5, window_bounds = array<i64: 128, 1>}, {pipeline_mode = #tpu.pipeline_mode<synchronous>, transform_indices = @transform_6, window_bounds = array<i64: 1, 1>}, {pipeline_mode = #tpu.pipeline_mode<synchronous>, transform_indices = @transform_7, window_bounds = array<i64: 128, 64>}, {pipeline_mode = #tpu.pipeline_mode<synchronous>, transform_indices = @transform_8, window_bounds = array<i64: 1, 64>}, {pipeline_mode = #tpu.pipeline_mode<synchronous>, transform_indices = @transform_9, window_bounds = array<i64: 64, 64>}, {pipeline_mode = #tpu.pipeline_mode<synchronous>, transform_indices = @transform_10, window_bounds = array<i64: 1, 64>}, {pipeline_mode = #tpu.pipeline_mode<synchronous>, transform_indices = @transform_11, window_bounds = array<i64: 64, 64>}, {pipeline_mode = #tpu.pipeline_mode<synchronous>, transform_indices = @transform_12, window_bounds = array<i64: 1, 64>}, {pipeline_mode = #tpu.pipeline_mode<synchronous>, transform_indices = @transform_13, window_bounds = array<i64: 64, 128>}, {transform_indices = @transform_14, window_bounds = array<i64: 2048, 1>}, {transform_indices = @transform_15, window_bounds = array<i64: 2048, 128>}, {transform_indices = @transform_16, window_bounds = array<i64: 1, 2, 128>}]} {
    %get3A = arith.constant 0 : index
    %get3A_0 = arith.constant 0 : index
    %get3A_1 = vector.load %arg1[%get3A, %get3A_0] : memref<2048x128xf32, #tpu.memory_space<vmem>>, vector<2048x128xf32>
    %get3A_2 = arith.constant 0 : index
    %get3A_3 = arith.constant 0 : index
    %get3A_4 = vector.load %arg2[%get3A_2, %get3A_3] : memref<128x128xf32, #tpu.memory_space<vmem>>, vector<128x128xf32>
    %dot_general3A = arith.constant dense<0.000000e+00> : vector<2048x128xf32>
    %dot_general3A_5 = tpu.matmul %get3A_1, %get3A_4, %dot_general3A {dimension_numbers = #tpu.dot_dimension_numbers<[1], [0], [0], [1], [0, 0, 1, 1], [], []>, transpose_lhs_hint = false} : vector<2048x128xf32>, vector<128x128xf32>, vector<2048x128xf32> -> vector<2048x128xf32>
    %get3A_6 = arith.constant 0 : index
    %get3A_7 = arith.constant 0 : index
    %get3A_8 = vector.load %arg3[%get3A_6, %get3A_7] : memref<1x128xf32, #tpu.memory_space<vmem>>, vector<1x128xf32>
    %add3A = vector.broadcast %get3A_8 : vector<1x128xf32> to vector<2048x128xf32>
    %add3A_9 = arith.addf %dot_general3A_5, %add3A : vector<2048x128xf32>
    %max3A = arith.constant 0.000000e+00 : f32
    %max3A_10 = vector.broadcast %max3A : f32 to vector<2048x128xf32>
    %max3A_11 = arith.maximumf %add3A_9, %max3A_10 : vector<2048x128xf32>
    %get3A_12 = arith.constant 0 : index
    %get3A_13 = arith.constant 0 : index
    %get3A_14 = vector.load %arg4[%get3A_12, %get3A_13] : memref<128x128xf32, #tpu.memory_space<vmem>>, vector<128x128xf32>
    %dot_general3A_15 = arith.constant dense<0.000000e+00> : vector<2048x128xf32>
    %dot_general3A_16 = tpu.matmul %max3A_11, %get3A_14, %dot_general3A_15 {dimension_numbers = #tpu.dot_dimension_numbers<[1], [0], [0], [1], [0, 0, 1, 1], [], []>, transpose_lhs_hint = false} : vector<2048x128xf32>, vector<128x128xf32>, vector<2048x128xf32> -> vector<2048x128xf32>
    %get3A_17 = arith.constant 0 : index
    %get3A_18 = arith.constant 0 : index
    %get3A_19 = vector.load %arg5[%get3A_17, %get3A_18] : memref<1x128xf32, #tpu.memory_space<vmem>>, vector<1x128xf32>
    %add3A_20 = vector.broadcast %get3A_19 : vector<1x128xf32> to vector<2048x128xf32>
    %add3A_21 = arith.addf %dot_general3A_16, %add3A_20 : vector<2048x128xf32>
    %max3A_22 = arith.constant 0.000000e+00 : f32
    %max3A_23 = vector.broadcast %max3A_22 : f32 to vector<2048x128xf32>
    %max3A_24 = arith.maximumf %add3A_21, %max3A_23 : vector<2048x128xf32>
    %get3A_25 = arith.constant 0 : index
    %get3A_26 = arith.constant 0 : index
    %get3A_27 = vector.load %arg6[%get3A_25, %get3A_26] : memref<128x1xf32, #tpu.memory_space<vmem>>, vector<128x1xf32>
    %dot_general3A_28 = arith.constant dense<0.000000e+00> : vector<2048x1xf32>
    %dot_general3A_29 = tpu.matmul %max3A_24, %get3A_27, %dot_general3A_28 {dimension_numbers = #tpu.dot_dimension_numbers<[1], [0], [0], [1], [0, 0, 1, 1], [], []>, transpose_lhs_hint = false} : vector<2048x128xf32>, vector<128x1xf32>, vector<2048x1xf32> -> vector<2048x1xf32>
    %get3A_30 = arith.constant 0 : index
    %get3A_31 = arith.constant 0 : index
    %get3A_32 = vector.load %arg7[%get3A_30, %get3A_31] : memref<1x1xf32, #tpu.memory_space<vmem>>, vector<1x1xf32>
    %add3A_33 = vector.broadcast %get3A_32 : vector<1x1xf32> to vector<2048x1xf32>
    %add3A_34 = arith.addf %dot_general3A_29, %add3A_33 : vector<2048x1xf32>
    %swap3A = arith.constant 0 : index
    %swap3A_35 = arith.constant 0 : index
    %swap3A_36 = vector.load %arg15[%swap3A, %swap3A_35] : memref<2048x1xf32, #tpu.memory_space<vmem>>, vector<2048x1xf32>
    tpu.vector_store %arg15[%swap3A, %swap3A_35], %add3A_34 {strides = array<i32>} : memref<2048x1xf32, #tpu.memory_space<vmem>>, vector<2048x1xf32>,
    %get3A_37 = arith.constant 0 : index
    %get3A_38 = arith.constant 0 : index
    %get3A_39 = vector.load %arg8[%get3A_37, %get3A_38] : memref<128x64xf32, #tpu.memory_space<vmem>>, vector<128x64xf32>
    %dot_general3A_40 = arith.constant dense<0.000000e+00> : vector<2048x64xf32>
    %dot_general3A_41 = tpu.matmul %get3A_1, %get3A_39, %dot_general3A_40 {dimension_numbers = #tpu.dot_dimension_numbers<[1], [0], [0], [1], [0, 0, 1, 1], [], []>, transpose_lhs_hint = false} : vector<2048x128xf32>, vector<128x64xf32>, vector<2048x64xf32> -> vector<2048x64xf32>
    %get3A_42 = arith.constant 0 : index
    %get3A_43 = arith.constant 0 : index
    %get3A_44 = vector.load %arg9[%get3A_42, %get3A_43] : memref<1x64xf32, #tpu.memory_space<vmem>>, vector<1x64xf32>
    %add3A_45 = vector.broadcast %get3A_44 : vector<1x64xf32> to vector<2048x64xf32>
    %add3A_46 = arith.addf %dot_general3A_41, %add3A_45 : vector<2048x64xf32>
    %ge3A = arith.constant 0.000000e+00 : f32
    %ge3A_47 = vector.broadcast %ge3A : f32 to vector<2048x64xf32>
    %ge3A_48 = arith.cmpf oge, %add3A_46, %ge3A_47 : vector<2048x64xf32>
    %mul3A = arith.constant 0.00999999977 : f32
    %mul3A_49 = vector.broadcast %mul3A : f32 to vector<2048x64xf32>
    %mul3A_50 = arith.mulf %mul3A_49, %add3A_46 : vector<2048x64xf32>
    %select_n3A = arith.select %ge3A_48, %add3A_46, %mul3A_50 : vector<2048x64xi1>, vector<2048x64xf32>
    %get3A_51 = arith.constant 0 : index
    %get3A_52 = arith.constant 0 : index
    %get3A_53 = vector.load %arg10[%get3A_51, %get3A_52] : memref<64x64xf32, #tpu.memory_space<vmem>>, vector<64x64xf32>
    %dot_general3A_54 = arith.constant dense<0.000000e+00> : vector<2048x64xf32>
    %dot_general3A_55 = tpu.matmul %select_n3A, %get3A_53, %dot_general3A_54 {dimension_numbers = #tpu.dot_dimension_numbers<[1], [0], [0], [1], [0, 0, 1, 1], [], []>, transpose_lhs_hint = false} : vector<2048x64xf32>, vector<64x64xf32>, vector<2048x64xf32> -> vector<2048x64xf32>
    %get3A_56 = arith.constant 0 : index
    %get3A_57 = arith.constant 0 : index
    %get3A_58 = vector.load %arg11[%get3A_56, %get3A_57] : memref<1x64xf32, #tpu.memory_space<vmem>>, vector<1x64xf32>
    %add3A_59 = vector.broadcast %get3A_58 : vector<1x64xf32> to vector<2048x64xf32>
    %add3A_60 = arith.addf %dot_general3A_55, %add3A_59 : vector<2048x64xf32>
    %ge3A_61 = arith.constant 0.000000e+00 : f32
    %ge3A_62 = vector.broadcast %ge3A_61 : f32 to vector<2048x64xf32>
    %ge3A_63 = arith.cmpf oge, %add3A_60, %ge3A_62 : vector<2048x64xf32>
    %mul3A_64 = arith.constant 0.00999999977 : f32
    %mul3A_65 = vector.broadcast %mul3A_64 : f32 to vector<2048x64xf32>
    %mul3A_66 = arith.mulf %mul3A_65, %add3A_60 : vector<2048x64xf32>
    %select_n3A_67 = arith.select %ge3A_63, %add3A_60, %mul3A_66 : vector<2048x64xi1>, vector<2048x64xf32>
    %get3A_68 = arith.constant 0 : index
    %get3A_69 = arith.constant 0 : index
    %get3A_70 = vector.load %arg12[%get3A_68, %get3A_69] : memref<64x64xf32, #tpu.memory_space<vmem>>, vector<64x64xf32>
    %dot_general3A_71 = arith.constant dense<0.000000e+00> : vector<2048x64xf32>
    %dot_general3A_72 = tpu.matmul %select_n3A_67, %get3A_70, %dot_general3A_71 {dimension_numbers = #tpu.dot_dimension_numbers<[1], [0], [0], [1], [0, 0, 1, 1], [], []>, transpose_lhs_hint = false} : vector<2048x64xf32>, vector<64x64xf32>, vector<2048x64xf32> -> vector<2048x64xf32>
    %get3A_73 = arith.constant 0 : index
    %get3A_74 = arith.constant 0 : index
    %get3A_75 = vector.load %arg13[%get3A_73, %get3A_74] : memref<1x64xf32, #tpu.memory_space<vmem>>, vector<1x64xf32>
    %add3A_76 = vector.broadcast %get3A_75 : vector<1x64xf32> to vector<2048x64xf32>
    %add3A_77 = arith.addf %dot_general3A_72, %add3A_76 : vector<2048x64xf32>
    %add3A_78 = arith.addf %add3A_77, %add3A_77 : vector<2048x64xf32>
    %add3A_79 = arith.addf %add3A_78, %add3A_77 : vector<2048x64xf32>
    %add3A_80 = arith.addf %add3A_79, %add3A_77 : vector<2048x64xf32>
    %add3A_81 = arith.addf %add3A_80, %add3A_77 : vector<2048x64xf32>
    %add3A_82 = arith.addf %add3A_81, %add3A_77 : vector<2048x64xf32>
    %add3A_83 = arith.addf %add3A_82, %add3A_77 : vector<2048x64xf32>
    %add3A_84 = arith.addf %add3A_83, %add3A_77 : vector<2048x64xf32>
    %add3A_85 = arith.addf %add3A_84, %add3A_77 : vector<2048x64xf32>
    %add3A_86 = arith.addf %add3A_77, %add3A_85 : vector<2048x64xf32>
    %get3A_87 = arith.constant 0 : index
    %get3A_88 = arith.constant 0 : index
    %get3A_89 = vector.load %arg14[%get3A_87, %get3A_88] : memref<64x128xf32, #tpu.memory_space<vmem>>, vector<64x128xf32>
    %dot_general3A_90 = arith.constant dense<0.000000e+00> : vector<2048x128xf32>
    %dot_general3A_91 = tpu.matmul %add3A_86, %get3A_89, %dot_general3A_90 {dimension_numbers = #tpu.dot_dimension_numbers<[1], [0], [0], [1], [0, 0, 1, 1], [], []>, transpose_lhs_hint = false} : vector<2048x64xf32>, vector<64x128xf32>, vector<2048x128xf32> -> vector<2048x128xf32>
    %swap3A_92 = arith.constant 0 : index
    %swap3A_93 = arith.constant 0 : index
    %swap3A_94 = vector.load %arg16[%swap3A_92, %swap3A_93] : memref<2048x128xf32, #tpu.memory_space<vmem>>, vector<2048x128xf32>
    tpu.vector_store %arg16[%swap3A_92, %swap3A_93], %dot_general3A_91 {strides = array<i32>} : memref<2048x128xf32, #tpu.memory_space<vmem>>, vector<2048x128xf32>,
    %reduce_sum3A = arith.constant dense<0.000000e+00> : vector<128xf32>
    %reduce_sum3A_95 = vector.multi_reduction <add>, %dot_general3A_91, %reduce_sum3A [0] : vector<2048x128xf32> to vector<128xf32>
    %mul3A_96 = arith.mulf %dot_general3A_91, %dot_general3A_91 : vector<2048x128xf32>
    %reduce_sum3A_97 = arith.constant dense<0.000000e+00> : vector<128xf32>
    %reduce_sum3A_98 = vector.multi_reduction <add>, %mul3A_96, %reduce_sum3A_97 [0] : vector<2048x128xf32> to vector<128xf32>
    %stack3A = vector.shape_cast %reduce_sum3A_95 : vector<128xf32> to vector<1x128xf32>
    %stack3A_99 = vector.shape_cast %reduce_sum3A_98 : vector<128xf32> to vector<1x128xf32>
    %stack3A_100 = tpu.concatenate %stack3A, %stack3A_99 in 0 : vector<1x128xf32>, vector<1x128xf32> -> vector<2x128xf32>
    %broadcast_in_dim3A = vector.shape_cast %stack3A_100 : vector<2x128xf32> to vector<1x2x128xf32>
    %swap3A_101 = arith.constant 0 : index
    %swap3A_102 = arith.constant 0 : index
    %swap3A_103 = arith.constant 0 : index
    %swap3A_104 = vector.load %arg17[%swap3A_101, %swap3A_102, %swap3A_103] : memref<1x2x128xf32, #tpu.memory_space<vmem>>, vector<1x2x128xf32>
    tpu.vector_store %arg17[%swap3A_101, %swap3A_102, %swap3A_103], %broadcast_in_dim3A {strides = array<i32>} : memref<1x2x128xf32, #tpu.memory_space<vmem>>, vector<1x2x128xf32>,
    return
  }
  func.func @transform_0(%arg0: i32) -> (i32, i32) {
    %c0_i32 = arith.constant 0 : i32
    %c0_i32_0 = arith.constant 0 : i32
    return %arg0, %c0_i32 : i32, i32
  }
  func.func @transform_1(%arg0: i32) -> (i32, i32) {
    %c0_i32 = arith.constant 0 : i32
    %c0_i32_0 = arith.constant 0 : i32
    %c0_i32_1 = arith.constant 0 : i32
    return %c0_i32, %c0_i32_0 : i32, i32
  }
  func.func @transform_2(%arg0: i32) -> (i32, i32) {
    %c0_i32 = arith.constant 0 : i32
    %c0_i32_0 = arith.constant 0 : i32
    %c0_i32_1 = arith.constant 0 : i32
    return %c0_i32, %c0_i32_0 : i32, i32
  }
  func.func @transform_3(%arg0: i32) -> (i32, i32) {
    %c0_i32 = arith.constant 0 : i32
    %c0_i32_0 = arith.constant 0 : i32
    %c0_i32_1 = arith.constant 0 : i32
    return %c0_i32, %c0_i32_0 : i32, i32
  }
  func.func @transform_4(%arg0: i32) -> (i32, i32) {
    %c0_i32 = arith.constant 0 : i32
    %c0_i32_0 = arith.constant 0 : i32
    %c0_i32_1 = arith.constant 0 : i32
    return %c0_i32, %c0_i32_0 : i32, i32
  }
  func.func @transform_5(%arg0: i32) -> (i32, i32) {
    %c0_i32 = arith.constant 0 : i32
    %c0_i32_0 = arith.constant 0 : i32
    %c0_i32_1 = arith.constant 0 : i32
    return %c0_i32, %c0_i32_0 : i32, i32
  }
  func.func @transform_6(%arg0: i32) -> (i32, i32) {
    %c0_i32 = arith.constant 0 : i32
    %c0_i32_0 = arith.constant 0 : i32
    %c0_i32_1 = arith.constant 0 : i32
    return %c0_i32, %c0_i32_0 : i32, i32
  }
  func.func @transform_7(%arg0: i32) -> (i32, i32) {
    %c0_i32 = arith.constant 0 : i32
    %c0_i32_0 = arith.constant 0 : i32
    %c0_i32_1 = arith.constant 0 : i32
    return %c0_i32, %c0_i32_0 : i32, i32
  }
  func.func @transform_8(%arg0: i32) -> (i32, i32) {
    %c0_i32 = arith.constant 0 : i32
    %c0_i32_0 = arith.constant 0 : i32
    %c0_i32_1 = arith.constant 0 : i32
    return %c0_i32, %c0_i32_0 : i32, i32
  }
  func.func @transform_9(%arg0: i32) -> (i32, i32) {
    %c0_i32 = arith.constant 0 : i32
    %c0_i32_0 = arith.constant 0 : i32
    %c0_i32_1 = arith.constant 0 : i32
    return %c0_i32, %c0_i32_0 : i32, i32
  }
  func.func @transform_10(%arg0: i32) -> (i32, i32) {
    %c0_i32 = arith.constant 0 : i32
    %c0_i32_0 = arith.constant 0 : i32
    %c0_i32_1 = arith.constant 0 : i32
    return %c0_i32, %c0_i32_0 : i32, i32
  }
  func.func @transform_11(%arg0: i32) -> (i32, i32) {
    %c0_i32 = arith.constant 0 : i32
    %c0_i32_0 = arith.constant 0 : i32
    %c0_i32_1 = arith.constant 0 : i32
    return %c0_i32, %c0_i32_0 : i32, i32
  }
  func.func @transform_12(%arg0: i32) -> (i32, i32) {
    %c0_i32 = arith.constant 0 : i32
    %c0_i32_0 = arith.constant 0 : i32
    %c0_i32_1 = arith.constant 0 : i32
    return %c0_i32, %c0_i32_0 : i32, i32
  }
  func.func @transform_13(%arg0: i32) -> (i32, i32) {
    %c0_i32 = arith.constant 0 : i32
    %c0_i32_0 = arith.constant 0 : i32
    %c0_i32_1 = arith.constant 0 : i32
    return %c0_i32, %c0_i32_0 : i32, i32
  }
  func.func @transform_14(%arg0: i32) -> (i32, i32) {
    %c0_i32 = arith.constant 0 : i32
    %c0_i32_0 = arith.constant 0 : i32
    return %arg0, %c0_i32 : i32, i32
  }
  func.func @transform_15(%arg0: i32) -> (i32, i32) {
    %c0_i32 = arith.constant 0 : i32
    %c0_i32_0 = arith.constant 0 : i32
    return %arg0, %c0_i32 : i32, i32
  }
  func.func @transform_16(%arg0: i32) -> (i32, i32, i32) {
    %c0_i32 = arith.constant 0 : i32
    %c0_i32_0 = arith.constant 0 : i32
    %c0_i32_1 = arith.constant 0 : i32
    return %arg0, %c0_i32, %c0_i32_0 : i32, i32, i32
  }
}

module attributes {stable_mosaic.version = 14 : i64} {
  func.func @_p2_kernel(%arg0: i32, %arg1: memref<9x512x128xf32, #tpu.memory_space<vmem>>, %arg2: memref<16x3x128xf32, #tpu.memory_space<vmem>>, %arg3: memref<1x128xf32, #tpu.memory_space<vmem>>, %arg4: memref<1x128xf32, #tpu.memory_space<vmem>>, %arg5: memref<1x128xf32, #tpu.memory_space<vmem>>, %arg6: memref<128x128xf32, #tpu.memory_space<vmem>>, %arg7: memref<1x128xf32, #tpu.memory_space<vmem>>, %arg8: memref<1x128xf32, #tpu.memory_space<vmem>>, %arg9: memref<1x128xf32, #tpu.memory_space<vmem>>, %arg10: memref<1x128xf32, #tpu.memory_space<vmem>>, %arg11: memref<128x128xf32, #tpu.memory_space<vmem>>, %arg12: memref<1x128xf32, #tpu.memory_space<vmem>>, %arg13: memref<9x512x128xf32, #tpu.memory_space<vmem>>, %arg14: memref<1x3x128xf32, #tpu.memory_space<vmem>>) attributes {dimension_semantics = [#tpu.dimension_semantics<parallel>], iteration_bounds = array<i64: 16>, scalar_prefetch = 0 : i64, scratch_operands = 0 : i64, tpu.core_type = #tpu.core_type<tc>, window_params = [{transform_indices = @transform_0, window_bounds = array<i64: 9, 512, 128>}, {pipeline_mode = #tpu.pipeline_mode<synchronous>, transform_indices = @transform_1, window_bounds = array<i64: 16, 3, 128>}, {pipeline_mode = #tpu.pipeline_mode<synchronous>, transform_indices = @transform_2, window_bounds = array<i64: 1, 128>}, {pipeline_mode = #tpu.pipeline_mode<synchronous>, transform_indices = @transform_3, window_bounds = array<i64: 1, 128>}, {pipeline_mode = #tpu.pipeline_mode<synchronous>, transform_indices = @transform_4, window_bounds = array<i64: 1, 128>}, {pipeline_mode = #tpu.pipeline_mode<synchronous>, transform_indices = @transform_5, window_bounds = array<i64: 128, 128>}, {pipeline_mode = #tpu.pipeline_mode<synchronous>, transform_indices = @transform_6, window_bounds = array<i64: 1, 128>}, {pipeline_mode = #tpu.pipeline_mode<synchronous>, transform_indices = @transform_7, window_bounds = array<i64: 1, 128>}, {pipeline_mode = #tpu.pipeline_mode<synchronous>, transform_indices = @transform_8, window_bounds = array<i64: 1, 128>}, {pipeline_mode = #tpu.pipeline_mode<synchronous>, transform_indices = @transform_9, window_bounds = array<i64: 1, 128>}, {pipeline_mode = #tpu.pipeline_mode<synchronous>, transform_indices = @transform_10, window_bounds = array<i64: 128, 128>}, {pipeline_mode = #tpu.pipeline_mode<synchronous>, transform_indices = @transform_11, window_bounds = array<i64: 1, 128>}, {transform_indices = @transform_12, window_bounds = array<i64: 9, 512, 128>}, {transform_indices = @transform_13, window_bounds = array<i64: 1, 3, 128>}]} {
    %get3A = arith.constant 0 : index
    %get3A_0 = arith.constant 0 : index
    %get3A_1 = vector.load %arg5[%get3A, %get3A_0] : memref<1x128xf32, #tpu.memory_space<vmem>>, vector<1x128xf32>
    %get3A_2 = arith.constant 0 : index
    %get3A_3 = arith.constant 0 : index
    %get3A_4 = arith.constant 0 : index
    %get3A_5 = vector.load %arg2[%get3A_2, %get3A_3, %get3A_4] : memref<16x3x128xf32, #tpu.memory_space<vmem>>, vector<16x3x128xf32>
    %slice3A = vector.extract_strided_slice %get3A_5 {offsets = [0, 0, 0], sizes = [16, 1, 128], strides = [1, 1, 1]} : vector<16x3x128xf32> to vector<16x1x128xf32>
    %squeeze3A = vector.shape_cast %slice3A : vector<16x1x128xf32> to vector<16x128xf32>
    %slice3A_6 = vector.extract_strided_slice %get3A_5 {offsets = [0, 1, 0], sizes = [16, 1, 128], strides = [1, 1, 1]} : vector<16x3x128xf32> to vector<16x1x128xf32>
    %squeeze3A_7 = vector.shape_cast %slice3A_6 : vector<16x1x128xf32> to vector<16x128xf32>
    %slice3A_8 = vector.extract_strided_slice %get3A_5 {offsets = [0, 2, 0], sizes = [16, 1, 128], strides = [1, 1, 1]} : vector<16x3x128xf32> to vector<16x1x128xf32>
    %squeeze3A_9 = vector.shape_cast %slice3A_8 : vector<16x1x128xf32> to vector<16x128xf32>
    %reduce_sum3A = arith.constant dense<0.000000e+00> : vector<128xf32>
    %reduce_sum3A_10 = vector.multi_reduction <add>, %squeeze3A, %reduce_sum3A [0] : vector<16x128xf32> to vector<128xf32>
    %broadcast_in_dim3A = vector.shape_cast %reduce_sum3A_10 : vector<128xf32> to vector<1x128xf32>
    %mul3A = arith.constant 4.608000e+03 : f32
    %mul3A_11 = vector.broadcast %mul3A : f32 to vector<1x128xf32>
    %mul3A_12 = arith.mulf %mul3A_11, %broadcast_in_dim3A : vector<1x128xf32>
    %reduce_sum3A_13 = arith.constant dense<0.000000e+00> : vector<128xf32>
    %reduce_sum3A_14 = vector.multi_reduction <add>, %squeeze3A_7, %reduce_sum3A_13 [0] : vector<16x128xf32> to vector<128xf32>
    %broadcast_in_dim3A_15 = vector.shape_cast %reduce_sum3A_14 : vector<128xf32> to vector<1x128xf32>
    %add3A = arith.addf %mul3A_12, %broadcast_in_dim3A_15 : vector<1x128xf32>
    %div3A = arith.constant 7.372800e+04 : f32
    %div3A_16 = vector.broadcast %div3A : f32 to vector<1x128xf32>
    %div3A_17 = arith.divf %add3A, %div3A_16 : vector<1x128xf32>
    %mul3A_18 = arith.mulf %div3A_17, %get3A_1 : vector<1x128xf32>
    %sub3A = vector.broadcast %mul3A_18 : vector<1x128xf32> to vector<16x128xf32>
    %sub3A_19 = arith.subf %sub3A, %squeeze3A : vector<16x128xf32>
    %reduce_sum3A_20 = arith.constant dense<0.000000e+00> : vector<128xf32>
    %reduce_sum3A_21 = vector.multi_reduction <add>, %squeeze3A_9, %reduce_sum3A_20 [0] : vector<16x128xf32> to vector<128xf32>
    %broadcast_in_dim3A_22 = vector.shape_cast %reduce_sum3A_21 : vector<128xf32> to vector<1x128xf32>
    %mul3A_23 = arith.mulf %sub3A_19, %squeeze3A_7 : vector<16x128xf32>
    %reduce_sum3A_24 = arith.constant dense<0.000000e+00> : vector<128xf32>
    %reduce_sum3A_25 = vector.multi_reduction <add>, %mul3A_23, %reduce_sum3A_24 [0] : vector<16x128xf32> to vector<128xf32>
    %broadcast_in_dim3A_26 = vector.shape_cast %reduce_sum3A_25 : vector<128xf32> to vector<1x128xf32>
    %mul3A_27 = arith.constant 2.000000e+00 : f32
    %mul3A_28 = vector.broadcast %mul3A_27 : f32 to vector<1x128xf32>
    %mul3A_29 = arith.mulf %mul3A_28, %broadcast_in_dim3A_26 : vector<1x128xf32>
    %sub3A_30 = arith.subf %broadcast_in_dim3A_22, %mul3A_29 : vector<1x128xf32>
    %mul3A_31 = arith.mulf %sub3A_19, %sub3A_19 : vector<16x128xf32>
    %reduce_sum3A_32 = arith.constant dense<0.000000e+00> : vector<128xf32>
    %reduce_sum3A_33 = vector.multi_reduction <add>, %mul3A_31, %reduce_sum3A_32 [0] : vector<16x128xf32> to vector<128xf32>
    %broadcast_in_dim3A_34 = vector.shape_cast %reduce_sum3A_33 : vector<128xf32> to vector<1x128xf32>
    %mul3A_35 = arith.constant 4.608000e+03 : f32
    %mul3A_36 = vector.broadcast %mul3A_35 : f32 to vector<1x128xf32>
    %mul3A_37 = arith.mulf %mul3A_36, %broadcast_in_dim3A_34 : vector<1x128xf32>
    %add3A_38 = arith.addf %sub3A_30, %mul3A_37 : vector<1x128xf32>
    %div3A_39 = arith.constant 7.372800e+04 : f32
    %div3A_40 = vector.broadcast %div3A_39 : f32 to vector<1x128xf32>
    %div3A_41 = arith.divf %add3A_38, %div3A_40 : vector<1x128xf32>
    %add3A_42 = arith.constant 9.99999974E-6 : f32
    %add3A_43 = vector.broadcast %add3A_42 : f32 to vector<1x128xf32>
    %add3A_44 = arith.addf %div3A_41, %add3A_43 : vector<1x128xf32>
    %sqrt3A = math.sqrt %add3A_44 : vector<1x128xf32>
    %get3A_45 = arith.constant 0 : index
    %get3A_46 = arith.constant 0 : index
    %get3A_47 = arith.constant 0 : index
    %get3A_48 = vector.load %arg1[%get3A_45, %get3A_46, %get3A_47] : memref<9x512x128xf32, #tpu.memory_space<vmem>>, vector<9x512x128xf32>
    %mul3A_49 = arith.mulf %div3A_17, %get3A_1 : vector<1x128xf32>
    %broadcast_in_dim3A_50 = vector.shape_cast %mul3A_49 : vector<1x128xf32> to vector<1x1x128xf32>
    %sub3A_51 = vector.broadcast %broadcast_in_dim3A_50 : vector<1x1x128xf32> to vector<9x512x128xf32>
    %sub3A_52 = arith.subf %get3A_48, %sub3A_51 : vector<9x512x128xf32>
    %get3A_53 = arith.constant 0 : index
    %get3A_54 = arith.constant 0 : index
    %get3A_55 = vector.load %arg3[%get3A_53, %get3A_54] : memref<1x128xf32, #tpu.memory_space<vmem>>, vector<1x128xf32>
    %broadcast_in_dim3A_56 = vector.shape_cast %get3A_55 : vector<1x128xf32> to vector<1x1x128xf32>
    %mul3A_57 = vector.broadcast %broadcast_in_dim3A_56 : vector<1x1x128xf32> to vector<9x512x128xf32>
    %mul3A_58 = arith.mulf %mul3A_57, %sub3A_52 : vector<9x512x128xf32>
    %broadcast_in_dim3A_59 = vector.shape_cast %sqrt3A : vector<1x128xf32> to vector<1x1x128xf32>
    %div3A_60 = vector.broadcast %broadcast_in_dim3A_59 : vector<1x1x128xf32> to vector<9x512x128xf32>
    %div3A_61 = arith.divf %mul3A_58, %div3A_60 : vector<9x512x128xf32>
    %get3A_62 = arith.constant 0 : index
    %get3A_63 = arith.constant 0 : index
    %get3A_64 = vector.load %arg4[%get3A_62, %get3A_63] : memref<1x128xf32, #tpu.memory_space<vmem>>, vector<1x128xf32>
    %broadcast_in_dim3A_65 = vector.shape_cast %get3A_64 : vector<1x128xf32> to vector<1x1x128xf32>
    %add3A_66 = vector.broadcast %broadcast_in_dim3A_65 : vector<1x1x128xf32> to vector<9x512x128xf32>
    %add3A_67 = arith.addf %div3A_61, %add3A_66 : vector<9x512x128xf32>
    %ge3A = arith.constant 0.000000e+00 : f32
    %ge3A_68 = vector.broadcast %ge3A : f32 to vector<9x512x128xf32>
    %ge3A_69 = arith.cmpf oge, %add3A_67, %ge3A_68 : vector<9x512x128xf32>
    %mul3A_70 = arith.constant 0.00999999977 : f32
    %mul3A_71 = vector.broadcast %mul3A_70 : f32 to vector<9x512x128xf32>
    %mul3A_72 = arith.mulf %mul3A_71, %add3A_67 : vector<9x512x128xf32>
    %select_n3A = arith.select %ge3A_69, %add3A_67, %mul3A_72 : vector<9x512x128xi1>, vector<9x512x128xf32>
    %reshape3A = vector.shape_cast %select_n3A : vector<9x512x128xf32> to vector<4608x128xf32>
    %get3A_73 = arith.constant 0 : index
    %get3A_74 = arith.constant 0 : index
    %get3A_75 = vector.load %arg6[%get3A_73, %get3A_74] : memref<128x128xf32, #tpu.memory_space<vmem>>, vector<128x128xf32>
    %dot_general3A = arith.constant dense<0.000000e+00> : vector<4608x128xf32>
    %dot_general3A_76 = tpu.matmul %reshape3A, %get3A_75, %dot_general3A {dimension_numbers = #tpu.dot_dimension_numbers<[1], [0], [0], [1], [0, 0, 1, 1], [], []>, transpose_lhs_hint = false} : vector<4608x128xf32>, vector<128x128xf32>, vector<4608x128xf32> -> vector<4608x128xf32>
    %get3A_77 = arith.constant 0 : index
    %get3A_78 = arith.constant 0 : index
    %get3A_79 = vector.load %arg7[%get3A_77, %get3A_78] : memref<1x128xf32, #tpu.memory_space<vmem>>, vector<1x128xf32>
    %add3A_80 = vector.broadcast %get3A_79 : vector<1x128xf32> to vector<4608x128xf32>
    %add3A_81 = arith.addf %dot_general3A_76, %add3A_80 : vector<4608x128xf32>
    %reshape3A_82 = vector.shape_cast %add3A_81 : vector<4608x128xf32> to vector<9x512x128xf32>
    %reduce_sum3A_83 = arith.constant dense<0.000000e+00> : vector<512x128xf32>
    %reduce_sum3A_84 = vector.multi_reduction <add>, %reshape3A_82, %reduce_sum3A_83 [0] : vector<9x512x128xf32> to vector<512x128xf32>
    %broadcast_in_dim3A_85 = vector.shape_cast %reduce_sum3A_84 : vector<512x128xf32> to vector<1x512x128xf32>
    %div3A_86 = arith.constant 9.000000e+00 : f32
    %div3A_87 = vector.broadcast %div3A_86 : f32 to vector<1x512x128xf32>
    %div3A_88 = arith.divf %broadcast_in_dim3A_85, %div3A_87 : vector<1x512x128xf32>
    %get3A_89 = arith.constant 0 : index
    %get3A_90 = arith.constant 0 : index
    %get3A_91 = vector.load %arg10[%get3A_89, %get3A_90] : memref<1x128xf32, #tpu.memory_space<vmem>>, vector<1x128xf32>
    %broadcast_in_dim3A_92 = vector.shape_cast %get3A_91 : vector<1x128xf32> to vector<1x1x128xf32>
    %mul3A_93 = vector.broadcast %broadcast_in_dim3A_92 : vector<1x1x128xf32> to vector<1x512x128xf32>
    %mul3A_94 = arith.mulf %div3A_88, %mul3A_93 : vector<1x512x128xf32>
    %sub3A_95 = vector.broadcast %mul3A_94 : vector<1x512x128xf32> to vector<9x512x128xf32>
    %sub3A_96 = arith.subf %reshape3A_82, %sub3A_95 : vector<9x512x128xf32>
    %mul3A_97 = arith.mulf %sub3A_96, %sub3A_96 : vector<9x512x128xf32>
    %reduce_sum3A_98 = arith.constant dense<0.000000e+00> : vector<512x128xf32>
    %reduce_sum3A_99 = vector.multi_reduction <add>, %mul3A_97, %reduce_sum3A_98 [0] : vector<9x512x128xf32> to vector<512x128xf32>
    %broadcast_in_dim3A_100 = vector.shape_cast %reduce_sum3A_99 : vector<512x128xf32> to vector<1x512x128xf32>
    %div3A_101 = arith.constant 9.000000e+00 : f32
    %div3A_102 = vector.broadcast %div3A_101 : f32 to vector<1x512x128xf32>
    %div3A_103 = arith.divf %broadcast_in_dim3A_100, %div3A_102 : vector<1x512x128xf32>
    %get3A_104 = arith.constant 0 : index
    %get3A_105 = arith.constant 0 : index
    %get3A_106 = vector.load %arg8[%get3A_104, %get3A_105] : memref<1x128xf32, #tpu.memory_space<vmem>>, vector<1x128xf32>
    %broadcast_in_dim3A_107 = vector.shape_cast %get3A_106 : vector<1x128xf32> to vector<1x1x128xf32>
    %mul3A_108 = vector.broadcast %broadcast_in_dim3A_107 : vector<1x1x128xf32> to vector<9x512x128xf32>
    %mul3A_109 = arith.mulf %mul3A_108, %sub3A_96 : vector<9x512x128xf32>
    %add3A_110 = arith.constant 9.99999974E-6 : f32
    %add3A_111 = vector.broadcast %add3A_110 : f32 to vector<1x512x128xf32>
    %add3A_112 = arith.addf %div3A_103, %add3A_111 : vector<1x512x128xf32>
    %sqrt3A_113 = math.sqrt %add3A_112 : vector<1x512x128xf32>
    %div3A_114 = vector.broadcast %sqrt3A_113 : vector<1x512x128xf32> to vector<9x512x128xf32>
    %div3A_115 = arith.divf %mul3A_109, %div3A_114 : vector<9x512x128xf32>
    %get3A_116 = arith.constant 0 : index
    %get3A_117 = arith.constant 0 : index
    %get3A_118 = vector.load %arg9[%get3A_116, %get3A_117] : memref<1x128xf32, #tpu.memory_space<vmem>>, vector<1x128xf32>
    %broadcast_in_dim3A_119 = vector.shape_cast %get3A_118 : vector<1x128xf32> to vector<1x1x128xf32>
    %add3A_120 = vector.broadcast %broadcast_in_dim3A_119 : vector<1x1x128xf32> to vector<9x512x128xf32>
    %add3A_121 = arith.addf %div3A_115, %add3A_120 : vector<9x512x128xf32>
    %ge3A_122 = arith.constant 0.000000e+00 : f32
    %ge3A_123 = vector.broadcast %ge3A_122 : f32 to vector<9x512x128xf32>
    %ge3A_124 = arith.cmpf oge, %add3A_121, %ge3A_123 : vector<9x512x128xf32>
    %mul3A_125 = arith.constant 0.00999999977 : f32
    %mul3A_126 = vector.broadcast %mul3A_125 : f32 to vector<9x512x128xf32>
    %mul3A_127 = arith.mulf %mul3A_126, %add3A_121 : vector<9x512x128xf32>
    %select_n3A_128 = arith.select %ge3A_124, %add3A_121, %mul3A_127 : vector<9x512x128xi1>, vector<9x512x128xf32>
    %reduce_sum3A_129 = arith.constant dense<0.000000e+00> : vector<512x128xf32>
    %reduce_sum3A_130 = vector.multi_reduction <add>, %select_n3A_128, %reduce_sum3A_129 [0] : vector<9x512x128xf32> to vector<512x128xf32>
    %broadcast_in_dim3A_131 = vector.shape_cast %reduce_sum3A_130 : vector<512x128xf32> to vector<1x512x128xf32>
    %add3A_132 = vector.broadcast %broadcast_in_dim3A_131 : vector<1x512x128xf32> to vector<9x512x128xf32>
    %add3A_133 = arith.addf %select_n3A_128, %add3A_132 : vector<9x512x128xf32>
    %reshape3A_134 = vector.shape_cast %add3A_133 : vector<9x512x128xf32> to vector<4608x128xf32>
    %get3A_135 = arith.constant 0 : index
    %get3A_136 = arith.constant 0 : index
    %get3A_137 = vector.load %arg11[%get3A_135, %get3A_136] : memref<128x128xf32, #tpu.memory_space<vmem>>, vector<128x128xf32>
    %dot_general3A_138 = arith.constant dense<0.000000e+00> : vector<4608x128xf32>
    %dot_general3A_139 = tpu.matmul %reshape3A_134, %get3A_137, %dot_general3A_138 {dimension_numbers = #tpu.dot_dimension_numbers<[1], [0], [0], [1], [0, 0, 1, 1], [], []>, transpose_lhs_hint = false} : vector<4608x128xf32>, vector<128x128xf32>, vector<4608x128xf32> -> vector<4608x128xf32>
    %get3A_140 = arith.constant 0 : index
    %get3A_141 = arith.constant 0 : index
    %get3A_142 = vector.load %arg12[%get3A_140, %get3A_141] : memref<1x128xf32, #tpu.memory_space<vmem>>, vector<1x128xf32>
    %add3A_143 = vector.broadcast %get3A_142 : vector<1x128xf32> to vector<4608x128xf32>
    %add3A_144 = arith.addf %dot_general3A_139, %add3A_143 : vector<4608x128xf32>
    %reshape3A_145 = vector.shape_cast %add3A_144 : vector<4608x128xf32> to vector<9x512x128xf32>
    %swap3A = arith.constant 0 : index
    %swap3A_146 = arith.constant 0 : index
    %swap3A_147 = arith.constant 0 : index
    %swap3A_148 = vector.load %arg13[%swap3A, %swap3A_146, %swap3A_147] : memref<9x512x128xf32, #tpu.memory_space<vmem>>, vector<9x512x128xf32>
    tpu.vector_store %arg13[%swap3A, %swap3A_146, %swap3A_147], %reshape3A_145 {strides = array<i32>} : memref<9x512x128xf32, #tpu.memory_space<vmem>>, vector<9x512x128xf32>,
    %reduce_sum3A_149 = arith.constant dense<0.000000e+00> : vector<128xf32>
    %reduce_sum3A_150 = vector.multi_reduction <add>, %add3A_144, %reduce_sum3A_149 [0] : vector<4608x128xf32> to vector<128xf32>
    %broadcast_in_dim3A_151 = vector.shape_cast %reduce_sum3A_150 : vector<128xf32> to vector<1x128xf32>
    %div3A_152 = arith.constant 4.608000e+03 : f32
    %div3A_153 = vector.broadcast %div3A_152 : f32 to vector<1x128xf32>
    %div3A_154 = arith.divf %broadcast_in_dim3A_151, %div3A_153 : vector<1x128xf32>
    %sub3A_155 = vector.broadcast %div3A_154 : vector<1x128xf32> to vector<4608x128xf32>
    %sub3A_156 = arith.subf %add3A_144, %sub3A_155 : vector<4608x128xf32>
    %squeeze3A_157 = vector.shape_cast %div3A_154 : vector<1x128xf32> to vector<128xf32>
    %reduce_sum3A_158 = arith.constant dense<0.000000e+00> : vector<128xf32>
    %reduce_sum3A_159 = vector.multi_reduction <add>, %sub3A_156, %reduce_sum3A_158 [0] : vector<4608x128xf32> to vector<128xf32>
    %mul3A_160 = arith.mulf %sub3A_156, %sub3A_156 : vector<4608x128xf32>
    %reduce_sum3A_161 = arith.constant dense<0.000000e+00> : vector<128xf32>
    %reduce_sum3A_162 = vector.multi_reduction <add>, %mul3A_160, %reduce_sum3A_161 [0] : vector<4608x128xf32> to vector<128xf32>
    %stack3A = vector.shape_cast %squeeze3A_157 : vector<128xf32> to vector<1x128xf32>
    %stack3A_163 = vector.shape_cast %reduce_sum3A_159 : vector<128xf32> to vector<1x128xf32>
    %stack3A_164 = vector.shape_cast %reduce_sum3A_162 : vector<128xf32> to vector<1x128xf32>
    %stack3A_165 = tpu.concatenate %stack3A, %stack3A_163, %stack3A_164 in 0 : vector<1x128xf32>, vector<1x128xf32>, vector<1x128xf32> -> vector<3x128xf32>
    %broadcast_in_dim3A_166 = vector.shape_cast %stack3A_165 : vector<3x128xf32> to vector<1x3x128xf32>
    %swap3A_167 = arith.constant 0 : index
    %swap3A_168 = arith.constant 0 : index
    %swap3A_169 = arith.constant 0 : index
    %swap3A_170 = vector.load %arg14[%swap3A_167, %swap3A_168, %swap3A_169] : memref<1x3x128xf32, #tpu.memory_space<vmem>>, vector<1x3x128xf32>
    tpu.vector_store %arg14[%swap3A_167, %swap3A_168, %swap3A_169], %broadcast_in_dim3A_166 {strides = array<i32>} : memref<1x3x128xf32, #tpu.memory_space<vmem>>, vector<1x3x128xf32>,
    return
  }
  func.func @transform_0(%arg0: i32) -> (i32, i32, i32) {
    %c0_i32 = arith.constant 0 : i32
    %c0_i32_0 = arith.constant 0 : i32
    %c0_i32_1 = arith.constant 0 : i32
    return %c0_i32, %arg0, %c0_i32_0 : i32, i32, i32
  }
  func.func @transform_1(%arg0: i32) -> (i32, i32, i32) {
    %c0_i32 = arith.constant 0 : i32
    %c0_i32_0 = arith.constant 0 : i32
    %c0_i32_1 = arith.constant 0 : i32
    %c0_i32_2 = arith.constant 0 : i32
    return %c0_i32, %c0_i32_0, %c0_i32_1 : i32, i32, i32
  }
  func.func @transform_2(%arg0: i32) -> (i32, i32) {
    %c0_i32 = arith.constant 0 : i32
    %c0_i32_0 = arith.constant 0 : i32
    %c0_i32_1 = arith.constant 0 : i32
    return %c0_i32, %c0_i32_0 : i32, i32
  }
  func.func @transform_3(%arg0: i32) -> (i32, i32) {
    %c0_i32 = arith.constant 0 : i32
    %c0_i32_0 = arith.constant 0 : i32
    %c0_i32_1 = arith.constant 0 : i32
    return %c0_i32, %c0_i32_0 : i32, i32
  }
  func.func @transform_4(%arg0: i32) -> (i32, i32) {
    %c0_i32 = arith.constant 0 : i32
    %c0_i32_0 = arith.constant 0 : i32
    %c0_i32_1 = arith.constant 0 : i32
    return %c0_i32, %c0_i32_0 : i32, i32
  }
  func.func @transform_5(%arg0: i32) -> (i32, i32) {
    %c0_i32 = arith.constant 0 : i32
    %c0_i32_0 = arith.constant 0 : i32
    %c0_i32_1 = arith.constant 0 : i32
    return %c0_i32, %c0_i32_0 : i32, i32
  }
  func.func @transform_6(%arg0: i32) -> (i32, i32) {
    %c0_i32 = arith.constant 0 : i32
    %c0_i32_0 = arith.constant 0 : i32
    %c0_i32_1 = arith.constant 0 : i32
    return %c0_i32, %c0_i32_0 : i32, i32
  }
  func.func @transform_7(%arg0: i32) -> (i32, i32) {
    %c0_i32 = arith.constant 0 : i32
    %c0_i32_0 = arith.constant 0 : i32
    %c0_i32_1 = arith.constant 0 : i32
    return %c0_i32, %c0_i32_0 : i32, i32
  }
  func.func @transform_8(%arg0: i32) -> (i32, i32) {
    %c0_i32 = arith.constant 0 : i32
    %c0_i32_0 = arith.constant 0 : i32
    %c0_i32_1 = arith.constant 0 : i32
    return %c0_i32, %c0_i32_0 : i32, i32
  }
  func.func @transform_9(%arg0: i32) -> (i32, i32) {
    %c0_i32 = arith.constant 0 : i32
    %c0_i32_0 = arith.constant 0 : i32
    %c0_i32_1 = arith.constant 0 : i32
    return %c0_i32, %c0_i32_0 : i32, i32
  }
  func.func @transform_10(%arg0: i32) -> (i32, i32) {
    %c0_i32 = arith.constant 0 : i32
    %c0_i32_0 = arith.constant 0 : i32
    %c0_i32_1 = arith.constant 0 : i32
    return %c0_i32, %c0_i32_0 : i32, i32
  }
  func.func @transform_11(%arg0: i32) -> (i32, i32) {
    %c0_i32 = arith.constant 0 : i32
    %c0_i32_0 = arith.constant 0 : i32
    %c0_i32_1 = arith.constant 0 : i32
    return %c0_i32, %c0_i32_0 : i32, i32
  }
  func.func @transform_12(%arg0: i32) -> (i32, i32, i32) {
    %c0_i32 = arith.constant 0 : i32
    %c0_i32_0 = arith.constant 0 : i32
    %c0_i32_1 = arith.constant 0 : i32
    return %c0_i32, %arg0, %c0_i32_0 : i32, i32, i32
  }
  func.func @transform_13(%arg0: i32) -> (i32, i32, i32) {
    %c0_i32 = arith.constant 0 : i32
    %c0_i32_0 = arith.constant 0 : i32
    %c0_i32_1 = arith.constant 0 : i32
    return %arg0, %c0_i32, %c0_i32_0 : i32, i32, i32
  }
}

module attributes {stable_mosaic.version = 14 : i64} {
  func.func @_p3_kernel(%arg0: i32, %arg1: memref<9x128x128xf32, #tpu.memory_space<vmem>>, %arg2: memref<16x3x128xf32, #tpu.memory_space<vmem>>, %arg3: memref<1x128xf32, #tpu.memory_space<vmem>>, %arg4: memref<1x128xf32, #tpu.memory_space<vmem>>, %arg5: memref<1x128xf32, #tpu.memory_space<vmem>>, %arg6: memref<128x128xf32, #tpu.memory_space<vmem>>, %arg7: memref<1x128xf32, #tpu.memory_space<vmem>>, %arg8: memref<128x128xf32, #tpu.memory_space<vmem>>, %arg9: memref<1x128xf32, #tpu.memory_space<vmem>>, %arg10: memref<128x128xf32, #tpu.memory_space<vmem>>, %arg11: memref<1x128xf32, #tpu.memory_space<vmem>>, %arg12: memref<128x4xf32, #tpu.memory_space<vmem>>, %arg13: memref<1x4xf32, #tpu.memory_space<vmem>>, %arg14: memref<128x128xf32, #tpu.memory_space<vmem>>, %arg15: memref<1x128xf32, #tpu.memory_space<vmem>>, %arg16: memref<128x128xf32, #tpu.memory_space<vmem>>, %arg17: memref<1x128xf32, #tpu.memory_space<vmem>>, %arg18: memref<128x5xf32, #tpu.memory_space<vmem>>, %arg19: memref<1x5xf32, #tpu.memory_space<vmem>>, %arg20: memref<9x128x4xf32, #tpu.memory_space<vmem>>, %arg21: memref<9x9x128x5xf32, #tpu.memory_space<vmem>>) attributes {dimension_semantics = [#tpu.dimension_semantics<parallel>], iteration_bounds = array<i64: 64>, scalar_prefetch = 0 : i64, scratch_operands = 0 : i64, tpu.core_type = #tpu.core_type<tc>, window_params = [{transform_indices = @transform_0, window_bounds = array<i64: 9, 128, 128>}, {pipeline_mode = #tpu.pipeline_mode<synchronous>, transform_indices = @transform_1, window_bounds = array<i64: 16, 3, 128>}, {pipeline_mode = #tpu.pipeline_mode<synchronous>, transform_indices = @transform_2, window_bounds = array<i64: 1, 128>}, {pipeline_mode = #tpu.pipeline_mode<synchronous>, transform_indices = @transform_3, window_bounds = array<i64: 1, 128>}, {pipeline_mode = #tpu.pipeline_mode<synchronous>, transform_indices = @transform_4, window_bounds = array<i64: 1, 128>}, {pipeline_mode = #tpu.pipeline_mode<synchronous>, transform_indices = @transform_5, window_bounds = array<i64: 128, 128>}, {pipeline_mode = #tpu.pipeline_mode<synchronous>, transform_indices = @transform_6, window_bounds = array<i64: 1, 128>}, {pipeline_mode = #tpu.pipeline_mode<synchronous>, transform_indices = @transform_7, window_bounds = array<i64: 128, 128>}, {pipeline_mode = #tpu.pipeline_mode<synchronous>, transform_indices = @transform_8, window_bounds = array<i64: 1, 128>}, {pipeline_mode = #tpu.pipeline_mode<synchronous>, transform_indices = @transform_9, window_bounds = array<i64: 128, 128>}, {pipeline_mode = #tpu.pipeline_mode<synchronous>, transform_indices = @transform_10, window_bounds = array<i64: 1, 128>}, {pipeline_mode = #tpu.pipeline_mode<synchronous>, transform_indices = @transform_11, window_bounds = array<i64: 128, 4>}, {pipeline_mode = #tpu.pipeline_mode<synchronous>, transform_indices = @transform_12, window_bounds = array<i64: 1, 4>}, {pipeline_mode = #tpu.pipeline_mode<synchronous>, transform_indices = @transform_13, window_bounds = array<i64: 128, 128>}, {pipeline_mode = #tpu.pipeline_mode<synchronous>, transform_indices = @transform_14, window_bounds = array<i64: 1, 128>}, {pipeline_mode = #tpu.pipeline_mode<synchronous>, transform_indices = @transform_15, window_bounds = array<i64: 128, 128>}, {pipeline_mode = #tpu.pipeline_mode<synchronous>, transform_indices = @transform_16, window_bounds = array<i64: 1, 128>}, {pipeline_mode = #tpu.pipeline_mode<synchronous>, transform_indices = @transform_17, window_bounds = array<i64: 128, 5>}, {pipeline_mode = #tpu.pipeline_mode<synchronous>, transform_indices = @transform_18, window_bounds = array<i64: 1, 5>}, {transform_indices = @transform_19, window_bounds = array<i64: 9, 128, 4>}, {transform_indices = @transform_20, window_bounds = array<i64: 9, 9, 128, 5>}]} {
    %get3A = arith.constant 0 : index
    %get3A_0 = arith.constant 0 : index
    %get3A_1 = vector.load %arg5[%get3A, %get3A_0] : memref<1x128xf32, #tpu.memory_space<vmem>>, vector<1x128xf32>
    %get3A_2 = arith.constant 0 : index
    %get3A_3 = arith.constant 0 : index
    %get3A_4 = arith.constant 0 : index
    %get3A_5 = vector.load %arg2[%get3A_2, %get3A_3, %get3A_4] : memref<16x3x128xf32, #tpu.memory_space<vmem>>, vector<16x3x128xf32>
    %slice3A = vector.extract_strided_slice %get3A_5 {offsets = [0, 0, 0], sizes = [16, 1, 128], strides = [1, 1, 1]} : vector<16x3x128xf32> to vector<16x1x128xf32>
    %squeeze3A = vector.shape_cast %slice3A : vector<16x1x128xf32> to vector<16x128xf32>
    %slice3A_6 = vector.extract_strided_slice %get3A_5 {offsets = [0, 1, 0], sizes = [16, 1, 128], strides = [1, 1, 1]} : vector<16x3x128xf32> to vector<16x1x128xf32>
    %squeeze3A_7 = vector.shape_cast %slice3A_6 : vector<16x1x128xf32> to vector<16x128xf32>
    %slice3A_8 = vector.extract_strided_slice %get3A_5 {offsets = [0, 2, 0], sizes = [16, 1, 128], strides = [1, 1, 1]} : vector<16x3x128xf32> to vector<16x1x128xf32>
    %squeeze3A_9 = vector.shape_cast %slice3A_8 : vector<16x1x128xf32> to vector<16x128xf32>
    %reduce_sum3A = arith.constant dense<0.000000e+00> : vector<128xf32>
    %reduce_sum3A_10 = vector.multi_reduction <add>, %squeeze3A, %reduce_sum3A [0] : vector<16x128xf32> to vector<128xf32>
    %broadcast_in_dim3A = vector.shape_cast %reduce_sum3A_10 : vector<128xf32> to vector<1x128xf32>
    %mul3A = arith.constant 4.608000e+03 : f32
    %mul3A_11 = vector.broadcast %mul3A : f32 to vector<1x128xf32>
    %mul3A_12 = arith.mulf %mul3A_11, %broadcast_in_dim3A : vector<1x128xf32>
    %reduce_sum3A_13 = arith.constant dense<0.000000e+00> : vector<128xf32>
    %reduce_sum3A_14 = vector.multi_reduction <add>, %squeeze3A_7, %reduce_sum3A_13 [0] : vector<16x128xf32> to vector<128xf32>
    %broadcast_in_dim3A_15 = vector.shape_cast %reduce_sum3A_14 : vector<128xf32> to vector<1x128xf32>
    %add3A = arith.addf %mul3A_12, %broadcast_in_dim3A_15 : vector<1x128xf32>
    %div3A = arith.constant 7.372800e+04 : f32
    %div3A_16 = vector.broadcast %div3A : f32 to vector<1x128xf32>
    %div3A_17 = arith.divf %add3A, %div3A_16 : vector<1x128xf32>
    %mul3A_18 = arith.mulf %div3A_17, %get3A_1 : vector<1x128xf32>
    %sub3A = vector.broadcast %mul3A_18 : vector<1x128xf32> to vector<16x128xf32>
    %sub3A_19 = arith.subf %sub3A, %squeeze3A : vector<16x128xf32>
    %reduce_sum3A_20 = arith.constant dense<0.000000e+00> : vector<128xf32>
    %reduce_sum3A_21 = vector.multi_reduction <add>, %squeeze3A_9, %reduce_sum3A_20 [0] : vector<16x128xf32> to vector<128xf32>
    %broadcast_in_dim3A_22 = vector.shape_cast %reduce_sum3A_21 : vector<128xf32> to vector<1x128xf32>
    %mul3A_23 = arith.mulf %sub3A_19, %squeeze3A_7 : vector<16x128xf32>
    %reduce_sum3A_24 = arith.constant dense<0.000000e+00> : vector<128xf32>
    %reduce_sum3A_25 = vector.multi_reduction <add>, %mul3A_23, %reduce_sum3A_24 [0] : vector<16x128xf32> to vector<128xf32>
    %broadcast_in_dim3A_26 = vector.shape_cast %reduce_sum3A_25 : vector<128xf32> to vector<1x128xf32>
    %mul3A_27 = arith.constant 2.000000e+00 : f32
    %mul3A_28 = vector.broadcast %mul3A_27 : f32 to vector<1x128xf32>
    %mul3A_29 = arith.mulf %mul3A_28, %broadcast_in_dim3A_26 : vector<1x128xf32>
    %sub3A_30 = arith.subf %broadcast_in_dim3A_22, %mul3A_29 : vector<1x128xf32>
    %mul3A_31 = arith.mulf %sub3A_19, %sub3A_19 : vector<16x128xf32>
    %reduce_sum3A_32 = arith.constant dense<0.000000e+00> : vector<128xf32>
    %reduce_sum3A_33 = vector.multi_reduction <add>, %mul3A_31, %reduce_sum3A_32 [0] : vector<16x128xf32> to vector<128xf32>
    %broadcast_in_dim3A_34 = vector.shape_cast %reduce_sum3A_33 : vector<128xf32> to vector<1x128xf32>
    %mul3A_35 = arith.constant 4.608000e+03 : f32
    %mul3A_36 = vector.broadcast %mul3A_35 : f32 to vector<1x128xf32>
    %mul3A_37 = arith.mulf %mul3A_36, %broadcast_in_dim3A_34 : vector<1x128xf32>
    %add3A_38 = arith.addf %sub3A_30, %mul3A_37 : vector<1x128xf32>
    %div3A_39 = arith.constant 7.372800e+04 : f32
    %div3A_40 = vector.broadcast %div3A_39 : f32 to vector<1x128xf32>
    %div3A_41 = arith.divf %add3A_38, %div3A_40 : vector<1x128xf32>
    %add3A_42 = arith.constant 9.99999974E-6 : f32
    %add3A_43 = vector.broadcast %add3A_42 : f32 to vector<1x128xf32>
    %add3A_44 = arith.addf %div3A_41, %add3A_43 : vector<1x128xf32>
    %sqrt3A = math.sqrt %add3A_44 : vector<1x128xf32>
    %get3A_45 = arith.constant 0 : index
    %get3A_46 = arith.constant 0 : index
    %get3A_47 = arith.constant 0 : index
    %get3A_48 = vector.load %arg1[%get3A_45, %get3A_46, %get3A_47] : memref<9x128x128xf32, #tpu.memory_space<vmem>>, vector<9x128x128xf32>
    %mul3A_49 = arith.mulf %div3A_17, %get3A_1 : vector<1x128xf32>
    %broadcast_in_dim3A_50 = vector.shape_cast %mul3A_49 : vector<1x128xf32> to vector<1x1x128xf32>
    %sub3A_51 = vector.broadcast %broadcast_in_dim3A_50 : vector<1x1x128xf32> to vector<9x128x128xf32>
    %sub3A_52 = arith.subf %get3A_48, %sub3A_51 : vector<9x128x128xf32>
    %get3A_53 = arith.constant 0 : index
    %get3A_54 = arith.constant 0 : index
    %get3A_55 = vector.load %arg3[%get3A_53, %get3A_54] : memref<1x128xf32, #tpu.memory_space<vmem>>, vector<1x128xf32>
    %broadcast_in_dim3A_56 = vector.shape_cast %get3A_55 : vector<1x128xf32> to vector<1x1x128xf32>
    %mul3A_57 = vector.broadcast %broadcast_in_dim3A_56 : vector<1x1x128xf32> to vector<9x128x128xf32>
    %mul3A_58 = arith.mulf %mul3A_57, %sub3A_52 : vector<9x128x128xf32>
    %broadcast_in_dim3A_59 = vector.shape_cast %sqrt3A : vector<1x128xf32> to vector<1x1x128xf32>
    %div3A_60 = vector.broadcast %broadcast_in_dim3A_59 : vector<1x1x128xf32> to vector<9x128x128xf32>
    %div3A_61 = arith.divf %mul3A_58, %div3A_60 : vector<9x128x128xf32>
    %get3A_62 = arith.constant 0 : index
    %get3A_63 = arith.constant 0 : index
    %get3A_64 = vector.load %arg4[%get3A_62, %get3A_63] : memref<1x128xf32, #tpu.memory_space<vmem>>, vector<1x128xf32>
    %broadcast_in_dim3A_65 = vector.shape_cast %get3A_64 : vector<1x128xf32> to vector<1x1x128xf32>
    %add3A_66 = vector.broadcast %broadcast_in_dim3A_65 : vector<1x1x128xf32> to vector<9x128x128xf32>
    %add3A_67 = arith.addf %div3A_61, %add3A_66 : vector<9x128x128xf32>
    %ge3A = arith.constant 0.000000e+00 : f32
    %ge3A_68 = vector.broadcast %ge3A : f32 to vector<9x128x128xf32>
    %ge3A_69 = arith.cmpf oge, %add3A_67, %ge3A_68 : vector<9x128x128xf32>
    %mul3A_70 = arith.constant 0.00999999977 : f32
    %mul3A_71 = vector.broadcast %mul3A_70 : f32 to vector<9x128x128xf32>
    %mul3A_72 = arith.mulf %mul3A_71, %add3A_67 : vector<9x128x128xf32>
    %select_n3A = arith.select %ge3A_69, %add3A_67, %mul3A_72 : vector<9x128x128xi1>, vector<9x128x128xf32>
    %reshape3A = vector.shape_cast %select_n3A : vector<9x128x128xf32> to vector<1152x128xf32>
    %get3A_73 = arith.constant 0 : index
    %get3A_74 = arith.constant 0 : index
    %get3A_75 = vector.load %arg6[%get3A_73, %get3A_74] : memref<128x128xf32, #tpu.memory_space<vmem>>, vector<128x128xf32>
    %dot_general3A = arith.constant dense<0.000000e+00> : vector<1152x128xf32>
    %dot_general3A_76 = tpu.matmul %reshape3A, %get3A_75, %dot_general3A {dimension_numbers = #tpu.dot_dimension_numbers<[1], [0], [0], [1], [0, 0, 1, 1], [], []>, transpose_lhs_hint = false} : vector<1152x128xf32>, vector<128x128xf32>, vector<1152x128xf32> -> vector<1152x128xf32>
    %get3A_77 = arith.constant 0 : index
    %get3A_78 = arith.constant 0 : index
    %get3A_79 = vector.load %arg7[%get3A_77, %get3A_78] : memref<1x128xf32, #tpu.memory_space<vmem>>, vector<1x128xf32>
    %add3A_80 = vector.broadcast %get3A_79 : vector<1x128xf32> to vector<1152x128xf32>
    %add3A_81 = arith.addf %dot_general3A_76, %add3A_80 : vector<1152x128xf32>
    %get3A_82 = arith.constant 0 : index
    %get3A_83 = arith.constant 0 : index
    %get3A_84 = vector.load %arg8[%get3A_82, %get3A_83] : memref<128x128xf32, #tpu.memory_space<vmem>>, vector<128x128xf32>
    %dot_general3A_85 = arith.constant dense<0.000000e+00> : vector<1152x128xf32>
    %dot_general3A_86 = tpu.matmul %add3A_81, %get3A_84, %dot_general3A_85 {dimension_numbers = #tpu.dot_dimension_numbers<[1], [0], [0], [1], [0, 0, 1, 1], [], []>, transpose_lhs_hint = false} : vector<1152x128xf32>, vector<128x128xf32>, vector<1152x128xf32> -> vector<1152x128xf32>
    %get3A_87 = arith.constant 0 : index
    %get3A_88 = arith.constant 0 : index
    %get3A_89 = vector.load %arg9[%get3A_87, %get3A_88] : memref<1x128xf32, #tpu.memory_space<vmem>>, vector<1x128xf32>
    %add3A_90 = vector.broadcast %get3A_89 : vector<1x128xf32> to vector<1152x128xf32>
    %add3A_91 = arith.addf %dot_general3A_86, %add3A_90 : vector<1152x128xf32>
    %ge3A_92 = arith.constant 0.000000e+00 : f32
    %ge3A_93 = vector.broadcast %ge3A_92 : f32 to vector<1152x128xf32>
    %ge3A_94 = arith.cmpf oge, %add3A_91, %ge3A_93 : vector<1152x128xf32>
    %mul3A_95 = arith.constant 0.00999999977 : f32
    %mul3A_96 = vector.broadcast %mul3A_95 : f32 to vector<1152x128xf32>
    %mul3A_97 = arith.mulf %mul3A_96, %add3A_91 : vector<1152x128xf32>
    %select_n3A_98 = arith.select %ge3A_94, %add3A_91, %mul3A_97 : vector<1152x128xi1>, vector<1152x128xf32>
    %get3A_99 = arith.constant 0 : index
    %get3A_100 = arith.constant 0 : index
    %get3A_101 = vector.load %arg10[%get3A_99, %get3A_100] : memref<128x128xf32, #tpu.memory_space<vmem>>, vector<128x128xf32>
    %dot_general3A_102 = arith.constant dense<0.000000e+00> : vector<1152x128xf32>
    %dot_general3A_103 = tpu.matmul %select_n3A_98, %get3A_101, %dot_general3A_102 {dimension_numbers = #tpu.dot_dimension_numbers<[1], [0], [0], [1], [0, 0, 1, 1], [], []>, transpose_lhs_hint = false} : vector<1152x128xf32>, vector<128x128xf32>, vector<1152x128xf32> -> vector<1152x128xf32>
    %get3A_104 = arith.constant 0 : index
    %get3A_105 = arith.constant 0 : index
    %get3A_106 = vector.load %arg11[%get3A_104, %get3A_105] : memref<1x128xf32, #tpu.memory_space<vmem>>, vector<1x128xf32>
    %add3A_107 = vector.broadcast %get3A_106 : vector<1x128xf32> to vector<1152x128xf32>
    %add3A_108 = arith.addf %dot_general3A_103, %add3A_107 : vector<1152x128xf32>
    %ge3A_109 = arith.constant 0.000000e+00 : f32
    %ge3A_110 = vector.broadcast %ge3A_109 : f32 to vector<1152x128xf32>
    %ge3A_111 = arith.cmpf oge, %add3A_108, %ge3A_110 : vector<1152x128xf32>
    %mul3A_112 = arith.constant 0.00999999977 : f32
    %mul3A_113 = vector.broadcast %mul3A_112 : f32 to vector<1152x128xf32>
    %mul3A_114 = arith.mulf %mul3A_113, %add3A_108 : vector<1152x128xf32>
    %select_n3A_115 = arith.select %ge3A_111, %add3A_108, %mul3A_114 : vector<1152x128xi1>, vector<1152x128xf32>
    %get3A_116 = arith.constant 0 : index
    %get3A_117 = arith.constant 0 : index
    %get3A_118 = vector.load %arg12[%get3A_116, %get3A_117] : memref<128x4xf32, #tpu.memory_space<vmem>>, vector<128x4xf32>
    %dot_general3A_119 = arith.constant dense<0.000000e+00> : vector<1152x4xf32>
    %dot_general3A_120 = tpu.matmul %select_n3A_115, %get3A_118, %dot_general3A_119 {dimension_numbers = #tpu.dot_dimension_numbers<[1], [0], [0], [1], [0, 0, 1, 1], [], []>, transpose_lhs_hint = false} : vector<1152x128xf32>, vector<128x4xf32>, vector<1152x4xf32> -> vector<1152x4xf32>
    %get3A_121 = arith.constant 0 : index
    %get3A_122 = arith.constant 0 : index
    %get3A_123 = vector.load %arg13[%get3A_121, %get3A_122] : memref<1x4xf32, #tpu.memory_space<vmem>>, vector<1x4xf32>
    %add3A_124 = vector.broadcast %get3A_123 : vector<1x4xf32> to vector<1152x4xf32>
    %add3A_125 = arith.addf %dot_general3A_120, %add3A_124 : vector<1152x4xf32>
    %reshape3A_126 = vector.shape_cast %add3A_125 : vector<1152x4xf32> to vector<9x128x4xf32>
    %swap3A = arith.constant 0 : index
    %swap3A_127 = arith.constant 0 : index
    %swap3A_128 = arith.constant 0 : index
    %swap3A_129 = vector.load %arg20[%swap3A, %swap3A_127, %swap3A_128] : memref<9x128x4xf32, #tpu.memory_space<vmem>>, vector<9x128x4xf32>
    tpu.vector_store %arg20[%swap3A, %swap3A_127, %swap3A_128], %reshape3A_126 {strides = array<i32>} : memref<9x128x4xf32, #tpu.memory_space<vmem>>, vector<9x128x4xf32>,
    %reshape3A_130 = vector.shape_cast %add3A_81 : vector<1152x128xf32> to vector<9x128x128xf32>
    %slice3A_131 = vector.extract_strided_slice %reshape3A_130 {offsets = [0, 0, 0], sizes = [1, 128, 128], strides = [1, 1, 1]} : vector<9x128x128xf32> to vector<1x128x128xf32>
    %add3A_132 = vector.broadcast %slice3A_131 : vector<1x128x128xf32> to vector<9x128x128xf32>
    %add3A_133 = arith.addf %reshape3A_130, %add3A_132 : vector<9x128x128xf32>
    %div3A_134 = arith.constant 2.000000e+00 : f32
    %div3A_135 = vector.broadcast %div3A_134 : f32 to vector<9x128x128xf32>
    %div3A_136 = arith.divf %add3A_133, %div3A_135 : vector<9x128x128xf32>
    %reshape3A_137 = vector.shape_cast %div3A_136 : vector<9x128x128xf32> to vector<1152x128xf32>
    %get3A_138 = arith.constant 0 : index
    %get3A_139 = arith.constant 0 : index
    %get3A_140 = vector.load %arg14[%get3A_138, %get3A_139] : memref<128x128xf32, #tpu.memory_space<vmem>>, vector<128x128xf32>
    %dot_general3A_141 = arith.constant dense<0.000000e+00> : vector<1152x128xf32>
    %dot_general3A_142 = tpu.matmul %reshape3A_137, %get3A_140, %dot_general3A_141 {dimension_numbers = #tpu.dot_dimension_numbers<[1], [0], [0], [1], [0, 0, 1, 1], [], []>, transpose_lhs_hint = false} : vector<1152x128xf32>, vector<128x128xf32>, vector<1152x128xf32> -> vector<1152x128xf32>
    %get3A_143 = arith.constant 0 : index
    %get3A_144 = arith.constant 0 : index
    %get3A_145 = vector.load %arg15[%get3A_143, %get3A_144] : memref<1x128xf32, #tpu.memory_space<vmem>>, vector<1x128xf32>
    %add3A_146 = vector.broadcast %get3A_145 : vector<1x128xf32> to vector<1152x128xf32>
    %add3A_147 = arith.addf %dot_general3A_142, %add3A_146 : vector<1152x128xf32>
    %ge3A_148 = arith.constant 0.000000e+00 : f32
    %ge3A_149 = vector.broadcast %ge3A_148 : f32 to vector<1152x128xf32>
    %ge3A_150 = arith.cmpf oge, %add3A_147, %ge3A_149 : vector<1152x128xf32>
    %mul3A_151 = arith.constant 0.00999999977 : f32
    %mul3A_152 = vector.broadcast %mul3A_151 : f32 to vector<1152x128xf32>
    %mul3A_153 = arith.mulf %mul3A_152, %add3A_147 : vector<1152x128xf32>
    %select_n3A_154 = arith.select %ge3A_150, %add3A_147, %mul3A_153 : vector<1152x128xi1>, vector<1152x128xf32>
    %get3A_155 = arith.constant 0 : index
    %get3A_156 = arith.constant 0 : index
    %get3A_157 = vector.load %arg16[%get3A_155, %get3A_156] : memref<128x128xf32, #tpu.memory_space<vmem>>, vector<128x128xf32>
    %dot_general3A_158 = arith.constant dense<0.000000e+00> : vector<1152x128xf32>
    %dot_general3A_159 = tpu.matmul %select_n3A_154, %get3A_157, %dot_general3A_158 {dimension_numbers = #tpu.dot_dimension_numbers<[1], [0], [0], [1], [0, 0, 1, 1], [], []>, transpose_lhs_hint = false} : vector<1152x128xf32>, vector<128x128xf32>, vector<1152x128xf32> -> vector<1152x128xf32>
    %get3A_160 = arith.constant 0 : index
    %get3A_161 = arith.constant 0 : index
    %get3A_162 = vector.load %arg17[%get3A_160, %get3A_161] : memref<1x128xf32, #tpu.memory_space<vmem>>, vector<1x128xf32>
    %add3A_163 = vector.broadcast %get3A_162 : vector<1x128xf32> to vector<1152x128xf32>
    %add3A_164 = arith.addf %dot_general3A_159, %add3A_163 : vector<1152x128xf32>
    %ge3A_165 = arith.constant 0.000000e+00 : f32
    %ge3A_166 = vector.broadcast %ge3A_165 : f32 to vector<1152x128xf32>
    %ge3A_167 = arith.cmpf oge, %add3A_164, %ge3A_166 : vector<1152x128xf32>
    %mul3A_168 = arith.constant 0.00999999977 : f32
    %mul3A_169 = vector.broadcast %mul3A_168 : f32 to vector<1152x128xf32>
    %mul3A_170 = arith.mulf %mul3A_169, %add3A_164 : vector<1152x128xf32>
    %select_n3A_171 = arith.select %ge3A_167, %add3A_164, %mul3A_170 : vector<1152x128xi1>, vector<1152x128xf32>
    %get3A_172 = arith.constant 0 : index
    %get3A_173 = arith.constant 0 : index
    %get3A_174 = vector.load %arg18[%get3A_172, %get3A_173] : memref<128x5xf32, #tpu.memory_space<vmem>>, vector<128x5xf32>
    %dot_general3A_175 = arith.constant dense<0.000000e+00> : vector<1152x5xf32>
    %dot_general3A_176 = tpu.matmul %select_n3A_171, %get3A_174, %dot_general3A_175 {dimension_numbers = #tpu.dot_dimension_numbers<[1], [0], [0], [1], [0, 0, 1, 1], [], []>, transpose_lhs_hint = false} : vector<1152x128xf32>, vector<128x5xf32>, vector<1152x5xf32> -> vector<1152x5xf32>
    %get3A_177 = arith.constant 0 : index
    %get3A_178 = arith.constant 0 : index
    %get3A_179 = vector.load %arg19[%get3A_177, %get3A_178] : memref<1x5xf32, #tpu.memory_space<vmem>>, vector<1x5xf32>
    %add3A_180 = vector.broadcast %get3A_179 : vector<1x5xf32> to vector<1152x5xf32>
    %add3A_181 = arith.addf %dot_general3A_176, %add3A_180 : vector<1152x5xf32>
    %reshape3A_182 = vector.shape_cast %add3A_181 : vector<1152x5xf32> to vector<9x128x5xf32>
    %swap3A_183 = arith.constant 0 : index
    %swap3A_184 = arith.constant 0 : index
    %swap3A_185 = arith.constant 0 : index
    %swap3A_186 = arith.constant 0 : index
    %swap3A_187 = vector.load %arg21[%swap3A_183, %swap3A_184, %swap3A_185, %swap3A_186] : memref<9x9x128x5xf32, #tpu.memory_space<vmem>>, vector<1x9x128x5xf32>
    %swap3A_188 = vector.shape_cast %swap3A_187 : vector<1x9x128x5xf32> to vector<9x128x5xf32>
    %swap3A_189 = vector.shape_cast %reshape3A_182 : vector<9x128x5xf32> to vector<1x9x128x5xf32>
    tpu.vector_store %arg21[%swap3A_183, %swap3A_184, %swap3A_185, %swap3A_186], %swap3A_189 {strides = array<i32>} : memref<9x9x128x5xf32, #tpu.memory_space<vmem>>, vector<1x9x128x5xf32>,
    %slice3A_190 = vector.extract_strided_slice %reshape3A_130 {offsets = [1, 0, 0], sizes = [8, 128, 128], strides = [1, 1, 1]} : vector<9x128x128xf32> to vector<8x128x128xf32>
    %slice3A_191 = vector.extract_strided_slice %reshape3A_130 {offsets = [1, 0, 0], sizes = [1, 128, 128], strides = [1, 1, 1]} : vector<9x128x128xf32> to vector<1x128x128xf32>
    %add3A_192 = vector.broadcast %slice3A_191 : vector<1x128x128xf32> to vector<8x128x128xf32>
    %add3A_193 = arith.addf %slice3A_190, %add3A_192 : vector<8x128x128xf32>
    %div3A_194 = arith.constant 2.000000e+00 : f32
    %div3A_195 = vector.broadcast %div3A_194 : f32 to vector<8x128x128xf32>
    %div3A_196 = arith.divf %add3A_193, %div3A_195 : vector<8x128x128xf32>
    %reshape3A_197 = vector.shape_cast %div3A_196 : vector<8x128x128xf32> to vector<1024x128xf32>
    %get3A_198 = arith.constant 0 : index
    %get3A_199 = arith.constant 0 : index
    %get3A_200 = vector.load %arg14[%get3A_198, %get3A_199] : memref<128x128xf32, #tpu.memory_space<vmem>>, vector<128x128xf32>
    %dot_general3A_201 = arith.constant dense<0.000000e+00> : vector<1024x128xf32>
    %dot_general3A_202 = tpu.matmul %reshape3A_197, %get3A_200, %dot_general3A_201 {dimension_numbers = #tpu.dot_dimension_numbers<[1], [0], [0], [1], [0, 0, 1, 1], [], []>, transpose_lhs_hint = false} : vector<1024x128xf32>, vector<128x128xf32>, vector<1024x128xf32> -> vector<1024x128xf32>
    %get3A_203 = arith.constant 0 : index
    %get3A_204 = arith.constant 0 : index
    %get3A_205 = vector.load %arg15[%get3A_203, %get3A_204] : memref<1x128xf32, #tpu.memory_space<vmem>>, vector<1x128xf32>
    %add3A_206 = vector.broadcast %get3A_205 : vector<1x128xf32> to vector<1024x128xf32>
    %add3A_207 = arith.addf %dot_general3A_202, %add3A_206 : vector<1024x128xf32>
    %ge3A_208 = arith.constant 0.000000e+00 : f32
    %ge3A_209 = vector.broadcast %ge3A_208 : f32 to vector<1024x128xf32>
    %ge3A_210 = arith.cmpf oge, %add3A_207, %ge3A_209 : vector<1024x128xf32>
    %mul3A_211 = arith.constant 0.00999999977 : f32
    %mul3A_212 = vector.broadcast %mul3A_211 : f32 to vector<1024x128xf32>
    %mul3A_213 = arith.mulf %mul3A_212, %add3A_207 : vector<1024x128xf32>
    %select_n3A_214 = arith.select %ge3A_210, %add3A_207, %mul3A_213 : vector<1024x128xi1>, vector<1024x128xf32>
    %get3A_215 = arith.constant 0 : index
    %get3A_216 = arith.constant 0 : index
    %get3A_217 = vector.load %arg16[%get3A_215, %get3A_216] : memref<128x128xf32, #tpu.memory_space<vmem>>, vector<128x128xf32>
    %dot_general3A_218 = arith.constant dense<0.000000e+00> : vector<1024x128xf32>
    %dot_general3A_219 = tpu.matmul %select_n3A_214, %get3A_217, %dot_general3A_218 {dimension_numbers = #tpu.dot_dimension_numbers<[1], [0], [0], [1], [0, 0, 1, 1], [], []>, transpose_lhs_hint = false} : vector<1024x128xf32>, vector<128x128xf32>, vector<1024x128xf32> -> vector<1024x128xf32>
    %get3A_220 = arith.constant 0 : index
    %get3A_221 = arith.constant 0 : index
    %get3A_222 = vector.load %arg17[%get3A_220, %get3A_221] : memref<1x128xf32, #tpu.memory_space<vmem>>, vector<1x128xf32>
    %add3A_223 = vector.broadcast %get3A_222 : vector<1x128xf32> to vector<1024x128xf32>
    %add3A_224 = arith.addf %dot_general3A_219, %add3A_223 : vector<1024x128xf32>
    %ge3A_225 = arith.constant 0.000000e+00 : f32
    %ge3A_226 = vector.broadcast %ge3A_225 : f32 to vector<1024x128xf32>
    %ge3A_227 = arith.cmpf oge, %add3A_224, %ge3A_226 : vector<1024x128xf32>
    %mul3A_228 = arith.constant 0.00999999977 : f32
    %mul3A_229 = vector.broadcast %mul3A_228 : f32 to vector<1024x128xf32>
    %mul3A_230 = arith.mulf %mul3A_229, %add3A_224 : vector<1024x128xf32>
    %select_n3A_231 = arith.select %ge3A_227, %add3A_224, %mul3A_230 : vector<1024x128xi1>, vector<1024x128xf32>
    %get3A_232 = arith.constant 0 : index
    %get3A_233 = arith.constant 0 : index
    %get3A_234 = vector.load %arg18[%get3A_232, %get3A_233] : memref<128x5xf32, #tpu.memory_space<vmem>>, vector<128x5xf32>
    %dot_general3A_235 = arith.constant dense<0.000000e+00> : vector<1024x5xf32>
    %dot_general3A_236 = tpu.matmul %select_n3A_231, %get3A_234, %dot_general3A_235 {dimension_numbers = #tpu.dot_dimension_numbers<[1], [0], [0], [1], [0, 0, 1, 1], [], []>, transpose_lhs_hint = false} : vector<1024x128xf32>, vector<128x5xf32>, vector<1024x5xf32> -> vector<1024x5xf32>
    %get3A_237 = arith.constant 0 : index
    %get3A_238 = arith.constant 0 : index
    %get3A_239 = vector.load %arg19[%get3A_237, %get3A_238] : memref<1x5xf32, #tpu.memory_space<vmem>>, vector<1x5xf32>
    %add3A_240 = vector.broadcast %get3A_239 : vector<1x5xf32> to vector<1024x5xf32>
    %add3A_241 = arith.addf %dot_general3A_236, %add3A_240 : vector<1024x5xf32>
    %reshape3A_242 = vector.shape_cast %add3A_241 : vector<1024x5xf32> to vector<8x128x5xf32>
    %swap3A_243 = arith.constant 1 : index
    %swap3A_244 = arith.constant 1 : index
    %swap3A_245 = arith.constant 0 : index
    %swap3A_246 = arith.constant 0 : index
    %swap3A_247 = vector.load %arg21[%swap3A_243, %swap3A_244, %swap3A_245, %swap3A_246] : memref<9x9x128x5xf32, #tpu.memory_space<vmem>>, vector<1x8x128x5xf32>
    %swap3A_248 = vector.shape_cast %swap3A_247 : vector<1x8x128x5xf32> to vector<8x128x5xf32>
    %swap3A_249 = vector.shape_cast %reshape3A_242 : vector<8x128x5xf32> to vector<1x8x128x5xf32>
    tpu.vector_store %arg21[%swap3A_243, %swap3A_244, %swap3A_245, %swap3A_246], %swap3A_249 {strides = array<i32>} : memref<9x9x128x5xf32, #tpu.memory_space<vmem>>, vector<1x8x128x5xf32>,
    %slice3A_250 = vector.extract_strided_slice %reshape3A_130 {offsets = [2, 0, 0], sizes = [7, 128, 128], strides = [1, 1, 1]} : vector<9x128x128xf32> to vector<7x128x128xf32>
    %slice3A_251 = vector.extract_strided_slice %reshape3A_130 {offsets = [2, 0, 0], sizes = [1, 128, 128], strides = [1, 1, 1]} : vector<9x128x128xf32> to vector<1x128x128xf32>
    %add3A_252 = vector.broadcast %slice3A_251 : vector<1x128x128xf32> to vector<7x128x128xf32>
    %add3A_253 = arith.addf %slice3A_250, %add3A_252 : vector<7x128x128xf32>
    %div3A_254 = arith.constant 2.000000e+00 : f32
    %div3A_255 = vector.broadcast %div3A_254 : f32 to vector<7x128x128xf32>
    %div3A_256 = arith.divf %add3A_253, %div3A_255 : vector<7x128x128xf32>
    %reshape3A_257 = vector.shape_cast %div3A_256 : vector<7x128x128xf32> to vector<896x128xf32>
    %get3A_258 = arith.constant 0 : index
    %get3A_259 = arith.constant 0 : index
    %get3A_260 = vector.load %arg14[%get3A_258, %get3A_259] : memref<128x128xf32, #tpu.memory_space<vmem>>, vector<128x128xf32>
    %dot_general3A_261 = arith.constant dense<0.000000e+00> : vector<896x128xf32>
    %dot_general3A_262 = tpu.matmul %reshape3A_257, %get3A_260, %dot_general3A_261 {dimension_numbers = #tpu.dot_dimension_numbers<[1], [0], [0], [1], [0, 0, 1, 1], [], []>, transpose_lhs_hint = false} : vector<896x128xf32>, vector<128x128xf32>, vector<896x128xf32> -> vector<896x128xf32>
    %get3A_263 = arith.constant 0 : index
    %get3A_264 = arith.constant 0 : index
    %get3A_265 = vector.load %arg15[%get3A_263, %get3A_264] : memref<1x128xf32, #tpu.memory_space<vmem>>, vector<1x128xf32>
    %add3A_266 = vector.broadcast %get3A_265 : vector<1x128xf32> to vector<896x128xf32>
    %add3A_267 = arith.addf %dot_general3A_262, %add3A_266 : vector<896x128xf32>
    %ge3A_268 = arith.constant 0.000000e+00 : f32
    %ge3A_269 = vector.broadcast %ge3A_268 : f32 to vector<896x128xf32>
    %ge3A_270 = arith.cmpf oge, %add3A_267, %ge3A_269 : vector<896x128xf32>
    %mul3A_271 = arith.constant 0.00999999977 : f32
    %mul3A_272 = vector.broadcast %mul3A_271 : f32 to vector<896x128xf32>
    %mul3A_273 = arith.mulf %mul3A_272, %add3A_267 : vector<896x128xf32>
    %select_n3A_274 = arith.select %ge3A_270, %add3A_267, %mul3A_273 : vector<896x128xi1>, vector<896x128xf32>
    %get3A_275 = arith.constant 0 : index
    %get3A_276 = arith.constant 0 : index
    %get3A_277 = vector.load %arg16[%get3A_275, %get3A_276] : memref<128x128xf32, #tpu.memory_space<vmem>>, vector<128x128xf32>
    %dot_general3A_278 = arith.constant dense<0.000000e+00> : vector<896x128xf32>
    %dot_general3A_279 = tpu.matmul %select_n3A_274, %get3A_277, %dot_general3A_278 {dimension_numbers = #tpu.dot_dimension_numbers<[1], [0], [0], [1], [0, 0, 1, 1], [], []>, transpose_lhs_hint = false} : vector<896x128xf32>, vector<128x128xf32>, vector<896x128xf32> -> vector<896x128xf32>
    %get3A_280 = arith.constant 0 : index
    %get3A_281 = arith.constant 0 : index
    %get3A_282 = vector.load %arg17[%get3A_280, %get3A_281] : memref<1x128xf32, #tpu.memory_space<vmem>>, vector<1x128xf32>
    %add3A_283 = vector.broadcast %get3A_282 : vector<1x128xf32> to vector<896x128xf32>
    %add3A_284 = arith.addf %dot_general3A_279, %add3A_283 : vector<896x128xf32>
    %ge3A_285 = arith.constant 0.000000e+00 : f32
    %ge3A_286 = vector.broadcast %ge3A_285 : f32 to vector<896x128xf32>
    %ge3A_287 = arith.cmpf oge, %add3A_284, %ge3A_286 : vector<896x128xf32>
    %mul3A_288 = arith.constant 0.00999999977 : f32
    %mul3A_289 = vector.broadcast %mul3A_288 : f32 to vector<896x128xf32>
    %mul3A_290 = arith.mulf %mul3A_289, %add3A_284 : vector<896x128xf32>
    %select_n3A_291 = arith.select %ge3A_287, %add3A_284, %mul3A_290 : vector<896x128xi1>, vector<896x128xf32>
    %get3A_292 = arith.constant 0 : index
    %get3A_293 = arith.constant 0 : index
    %get3A_294 = vector.load %arg18[%get3A_292, %get3A_293] : memref<128x5xf32, #tpu.memory_space<vmem>>, vector<128x5xf32>
    %dot_general3A_295 = arith.constant dense<0.000000e+00> : vector<896x5xf32>
    %dot_general3A_296 = tpu.matmul %select_n3A_291, %get3A_294, %dot_general3A_295 {dimension_numbers = #tpu.dot_dimension_numbers<[1], [0], [0], [1], [0, 0, 1, 1], [], []>, transpose_lhs_hint = false} : vector<896x128xf32>, vector<128x5xf32>, vector<896x5xf32> -> vector<896x5xf32>
    %get3A_297 = arith.constant 0 : index
    %get3A_298 = arith.constant 0 : index
    %get3A_299 = vector.load %arg19[%get3A_297, %get3A_298] : memref<1x5xf32, #tpu.memory_space<vmem>>, vector<1x5xf32>
    %add3A_300 = vector.broadcast %get3A_299 : vector<1x5xf32> to vector<896x5xf32>
    %add3A_301 = arith.addf %dot_general3A_296, %add3A_300 : vector<896x5xf32>
    %reshape3A_302 = vector.shape_cast %add3A_301 : vector<896x5xf32> to vector<7x128x5xf32>
    %swap3A_303 = arith.constant 2 : index
    %swap3A_304 = arith.constant 2 : index
    %swap3A_305 = arith.constant 0 : index
    %swap3A_306 = arith.constant 0 : index
    %swap3A_307 = vector.load %arg21[%swap3A_303, %swap3A_304, %swap3A_305, %swap3A_306] : memref<9x9x128x5xf32, #tpu.memory_space<vmem>>, vector<1x7x128x5xf32>
    %swap3A_308 = vector.shape_cast %swap3A_307 : vector<1x7x128x5xf32> to vector<7x128x5xf32>
    %swap3A_309 = vector.shape_cast %reshape3A_302 : vector<7x128x5xf32> to vector<1x7x128x5xf32>
    tpu.vector_store %arg21[%swap3A_303, %swap3A_304, %swap3A_305, %swap3A_306], %swap3A_309 {strides = array<i32>} : memref<9x9x128x5xf32, #tpu.memory_space<vmem>>, vector<1x7x128x5xf32>,
    %slice3A_310 = vector.extract_strided_slice %reshape3A_130 {offsets = [3, 0, 0], sizes = [6, 128, 128], strides = [1, 1, 1]} : vector<9x128x128xf32> to vector<6x128x128xf32>
    %slice3A_311 = vector.extract_strided_slice %reshape3A_130 {offsets = [3, 0, 0], sizes = [1, 128, 128], strides = [1, 1, 1]} : vector<9x128x128xf32> to vector<1x128x128xf32>
    %add3A_312 = vector.broadcast %slice3A_311 : vector<1x128x128xf32> to vector<6x128x128xf32>
    %add3A_313 = arith.addf %slice3A_310, %add3A_312 : vector<6x128x128xf32>
    %div3A_314 = arith.constant 2.000000e+00 : f32
    %div3A_315 = vector.broadcast %div3A_314 : f32 to vector<6x128x128xf32>
    %div3A_316 = arith.divf %add3A_313, %div3A_315 : vector<6x128x128xf32>
    %reshape3A_317 = vector.shape_cast %div3A_316 : vector<6x128x128xf32> to vector<768x128xf32>
    %get3A_318 = arith.constant 0 : index
    %get3A_319 = arith.constant 0 : index
    %get3A_320 = vector.load %arg14[%get3A_318, %get3A_319] : memref<128x128xf32, #tpu.memory_space<vmem>>, vector<128x128xf32>
    %dot_general3A_321 = arith.constant dense<0.000000e+00> : vector<768x128xf32>
    %dot_general3A_322 = tpu.matmul %reshape3A_317, %get3A_320, %dot_general3A_321 {dimension_numbers = #tpu.dot_dimension_numbers<[1], [0], [0], [1], [0, 0, 1, 1], [], []>, transpose_lhs_hint = false} : vector<768x128xf32>, vector<128x128xf32>, vector<768x128xf32> -> vector<768x128xf32>
    %get3A_323 = arith.constant 0 : index
    %get3A_324 = arith.constant 0 : index
    %get3A_325 = vector.load %arg15[%get3A_323, %get3A_324] : memref<1x128xf32, #tpu.memory_space<vmem>>, vector<1x128xf32>
    %add3A_326 = vector.broadcast %get3A_325 : vector<1x128xf32> to vector<768x128xf32>
    %add3A_327 = arith.addf %dot_general3A_322, %add3A_326 : vector<768x128xf32>
    %ge3A_328 = arith.constant 0.000000e+00 : f32
    %ge3A_329 = vector.broadcast %ge3A_328 : f32 to vector<768x128xf32>
    %ge3A_330 = arith.cmpf oge, %add3A_327, %ge3A_329 : vector<768x128xf32>
    %mul3A_331 = arith.constant 0.00999999977 : f32
    %mul3A_332 = vector.broadcast %mul3A_331 : f32 to vector<768x128xf32>
    %mul3A_333 = arith.mulf %mul3A_332, %add3A_327 : vector<768x128xf32>
    %select_n3A_334 = arith.select %ge3A_330, %add3A_327, %mul3A_333 : vector<768x128xi1>, vector<768x128xf32>
    %get3A_335 = arith.constant 0 : index
    %get3A_336 = arith.constant 0 : index
    %get3A_337 = vector.load %arg16[%get3A_335, %get3A_336] : memref<128x128xf32, #tpu.memory_space<vmem>>, vector<128x128xf32>
    %dot_general3A_338 = arith.constant dense<0.000000e+00> : vector<768x128xf32>
    %dot_general3A_339 = tpu.matmul %select_n3A_334, %get3A_337, %dot_general3A_338 {dimension_numbers = #tpu.dot_dimension_numbers<[1], [0], [0], [1], [0, 0, 1, 1], [], []>, transpose_lhs_hint = false} : vector<768x128xf32>, vector<128x128xf32>, vector<768x128xf32> -> vector<768x128xf32>
    %get3A_340 = arith.constant 0 : index
    %get3A_341 = arith.constant 0 : index
    %get3A_342 = vector.load %arg17[%get3A_340, %get3A_341] : memref<1x128xf32, #tpu.memory_space<vmem>>, vector<1x128xf32>
    %add3A_343 = vector.broadcast %get3A_342 : vector<1x128xf32> to vector<768x128xf32>
    %add3A_344 = arith.addf %dot_general3A_339, %add3A_343 : vector<768x128xf32>
    %ge3A_345 = arith.constant 0.000000e+00 : f32
    %ge3A_346 = vector.broadcast %ge3A_345 : f32 to vector<768x128xf32>
    %ge3A_347 = arith.cmpf oge, %add3A_344, %ge3A_346 : vector<768x128xf32>
    %mul3A_348 = arith.constant 0.00999999977 : f32
    %mul3A_349 = vector.broadcast %mul3A_348 : f32 to vector<768x128xf32>
    %mul3A_350 = arith.mulf %mul3A_349, %add3A_344 : vector<768x128xf32>
    %select_n3A_351 = arith.select %ge3A_347, %add3A_344, %mul3A_350 : vector<768x128xi1>, vector<768x128xf32>
    %get3A_352 = arith.constant 0 : index
    %get3A_353 = arith.constant 0 : index
    %get3A_354 = vector.load %arg18[%get3A_352, %get3A_353] : memref<128x5xf32, #tpu.memory_space<vmem>>, vector<128x5xf32>
    %dot_general3A_355 = arith.constant dense<0.000000e+00> : vector<768x5xf32>
    %dot_general3A_356 = tpu.matmul %select_n3A_351, %get3A_354, %dot_general3A_355 {dimension_numbers = #tpu.dot_dimension_numbers<[1], [0], [0], [1], [0, 0, 1, 1], [], []>, transpose_lhs_hint = false} : vector<768x128xf32>, vector<128x5xf32>, vector<768x5xf32> -> vector<768x5xf32>
    %get3A_357 = arith.constant 0 : index
    %get3A_358 = arith.constant 0 : index
    %get3A_359 = vector.load %arg19[%get3A_357, %get3A_358] : memref<1x5xf32, #tpu.memory_space<vmem>>, vector<1x5xf32>
    %add3A_360 = vector.broadcast %get3A_359 : vector<1x5xf32> to vector<768x5xf32>
    %add3A_361 = arith.addf %dot_general3A_356, %add3A_360 : vector<768x5xf32>
    %reshape3A_362 = vector.shape_cast %add3A_361 : vector<768x5xf32> to vector<6x128x5xf32>
    %swap3A_363 = arith.constant 3 : index
    %swap3A_364 = arith.constant 3 : index
    %swap3A_365 = arith.constant 0 : index
    %swap3A_366 = arith.constant 0 : index
    %swap3A_367 = vector.load %arg21[%swap3A_363, %swap3A_364, %swap3A_365, %swap3A_366] : memref<9x9x128x5xf32, #tpu.memory_space<vmem>>, vector<1x6x128x5xf32>
    %swap3A_368 = vector.shape_cast %swap3A_367 : vector<1x6x128x5xf32> to vector<6x128x5xf32>
    %swap3A_369 = vector.shape_cast %reshape3A_362 : vector<6x128x5xf32> to vector<1x6x128x5xf32>
    tpu.vector_store %arg21[%swap3A_363, %swap3A_364, %swap3A_365, %swap3A_366], %swap3A_369 {strides = array<i32>} : memref<9x9x128x5xf32, #tpu.memory_space<vmem>>, vector<1x6x128x5xf32>,
    %slice3A_370 = vector.extract_strided_slice %reshape3A_130 {offsets = [4, 0, 0], sizes = [5, 128, 128], strides = [1, 1, 1]} : vector<9x128x128xf32> to vector<5x128x128xf32>
    %slice3A_371 = vector.extract_strided_slice %reshape3A_130 {offsets = [4, 0, 0], sizes = [1, 128, 128], strides = [1, 1, 1]} : vector<9x128x128xf32> to vector<1x128x128xf32>
    %add3A_372 = vector.broadcast %slice3A_371 : vector<1x128x128xf32> to vector<5x128x128xf32>
    %add3A_373 = arith.addf %slice3A_370, %add3A_372 : vector<5x128x128xf32>
    %div3A_374 = arith.constant 2.000000e+00 : f32
    %div3A_375 = vector.broadcast %div3A_374 : f32 to vector<5x128x128xf32>
    %div3A_376 = arith.divf %add3A_373, %div3A_375 : vector<5x128x128xf32>
    %reshape3A_377 = vector.shape_cast %div3A_376 : vector<5x128x128xf32> to vector<640x128xf32>
    %get3A_378 = arith.constant 0 : index
    %get3A_379 = arith.constant 0 : index
    %get3A_380 = vector.load %arg14[%get3A_378, %get3A_379] : memref<128x128xf32, #tpu.memory_space<vmem>>, vector<128x128xf32>
    %dot_general3A_381 = arith.constant dense<0.000000e+00> : vector<640x128xf32>
    %dot_general3A_382 = tpu.matmul %reshape3A_377, %get3A_380, %dot_general3A_381 {dimension_numbers = #tpu.dot_dimension_numbers<[1], [0], [0], [1], [0, 0, 1, 1], [], []>, transpose_lhs_hint = false} : vector<640x128xf32>, vector<128x128xf32>, vector<640x128xf32> -> vector<640x128xf32>
    %get3A_383 = arith.constant 0 : index
    %get3A_384 = arith.constant 0 : index
    %get3A_385 = vector.load %arg15[%get3A_383, %get3A_384] : memref<1x128xf32, #tpu.memory_space<vmem>>, vector<1x128xf32>
    %add3A_386 = vector.broadcast %get3A_385 : vector<1x128xf32> to vector<640x128xf32>
    %add3A_387 = arith.addf %dot_general3A_382, %add3A_386 : vector<640x128xf32>
    %ge3A_388 = arith.constant 0.000000e+00 : f32
    %ge3A_389 = vector.broadcast %ge3A_388 : f32 to vector<640x128xf32>
    %ge3A_390 = arith.cmpf oge, %add3A_387, %ge3A_389 : vector<640x128xf32>
    %mul3A_391 = arith.constant 0.00999999977 : f32
    %mul3A_392 = vector.broadcast %mul3A_391 : f32 to vector<640x128xf32>
    %mul3A_393 = arith.mulf %mul3A_392, %add3A_387 : vector<640x128xf32>
    %select_n3A_394 = arith.select %ge3A_390, %add3A_387, %mul3A_393 : vector<640x128xi1>, vector<640x128xf32>
    %get3A_395 = arith.constant 0 : index
    %get3A_396 = arith.constant 0 : index
    %get3A_397 = vector.load %arg16[%get3A_395, %get3A_396] : memref<128x128xf32, #tpu.memory_space<vmem>>, vector<128x128xf32>
    %dot_general3A_398 = arith.constant dense<0.000000e+00> : vector<640x128xf32>
    %dot_general3A_399 = tpu.matmul %select_n3A_394, %get3A_397, %dot_general3A_398 {dimension_numbers = #tpu.dot_dimension_numbers<[1], [0], [0], [1], [0, 0, 1, 1], [], []>, transpose_lhs_hint = false} : vector<640x128xf32>, vector<128x128xf32>, vector<640x128xf32> -> vector<640x128xf32>
    %get3A_400 = arith.constant 0 : index
    %get3A_401 = arith.constant 0 : index
    %get3A_402 = vector.load %arg17[%get3A_400, %get3A_401] : memref<1x128xf32, #tpu.memory_space<vmem>>, vector<1x128xf32>
    %add3A_403 = vector.broadcast %get3A_402 : vector<1x128xf32> to vector<640x128xf32>
    %add3A_404 = arith.addf %dot_general3A_399, %add3A_403 : vector<640x128xf32>
    %ge3A_405 = arith.constant 0.000000e+00 : f32
    %ge3A_406 = vector.broadcast %ge3A_405 : f32 to vector<640x128xf32>
    %ge3A_407 = arith.cmpf oge, %add3A_404, %ge3A_406 : vector<640x128xf32>
    %mul3A_408 = arith.constant 0.00999999977 : f32
    %mul3A_409 = vector.broadcast %mul3A_408 : f32 to vector<640x128xf32>
    %mul3A_410 = arith.mulf %mul3A_409, %add3A_404 : vector<640x128xf32>
    %select_n3A_411 = arith.select %ge3A_407, %add3A_404, %mul3A_410 : vector<640x128xi1>, vector<640x128xf32>
    %get3A_412 = arith.constant 0 : index
    %get3A_413 = arith.constant 0 : index
    %get3A_414 = vector.load %arg18[%get3A_412, %get3A_413] : memref<128x5xf32, #tpu.memory_space<vmem>>, vector<128x5xf32>
    %dot_general3A_415 = arith.constant dense<0.000000e+00> : vector<640x5xf32>
    %dot_general3A_416 = tpu.matmul %select_n3A_411, %get3A_414, %dot_general3A_415 {dimension_numbers = #tpu.dot_dimension_numbers<[1], [0], [0], [1], [0, 0, 1, 1], [], []>, transpose_lhs_hint = false} : vector<640x128xf32>, vector<128x5xf32>, vector<640x5xf32> -> vector<640x5xf32>
    %get3A_417 = arith.constant 0 : index
    %get3A_418 = arith.constant 0 : index
    %get3A_419 = vector.load %arg19[%get3A_417, %get3A_418] : memref<1x5xf32, #tpu.memory_space<vmem>>, vector<1x5xf32>
    %add3A_420 = vector.broadcast %get3A_419 : vector<1x5xf32> to vector<640x5xf32>
    %add3A_421 = arith.addf %dot_general3A_416, %add3A_420 : vector<640x5xf32>
    %reshape3A_422 = vector.shape_cast %add3A_421 : vector<640x5xf32> to vector<5x128x5xf32>
    %swap3A_423 = arith.constant 4 : index
    %swap3A_424 = arith.constant 4 : index
    %swap3A_425 = arith.constant 0 : index
    %swap3A_426 = arith.constant 0 : index
    %swap3A_427 = vector.load %arg21[%swap3A_423, %swap3A_424, %swap3A_425, %swap3A_426] : memref<9x9x128x5xf32, #tpu.memory_space<vmem>>, vector<1x5x128x5xf32>
    %swap3A_428 = vector.shape_cast %swap3A_427 : vector<1x5x128x5xf32> to vector<5x128x5xf32>
    %swap3A_429 = vector.shape_cast %reshape3A_422 : vector<5x128x5xf32> to vector<1x5x128x5xf32>
    tpu.vector_store %arg21[%swap3A_423, %swap3A_424, %swap3A_425, %swap3A_426], %swap3A_429 {strides = array<i32>} : memref<9x9x128x5xf32, #tpu.memory_space<vmem>>, vector<1x5x128x5xf32>,
    %slice3A_430 = vector.extract_strided_slice %reshape3A_130 {offsets = [5, 0, 0], sizes = [4, 128, 128], strides = [1, 1, 1]} : vector<9x128x128xf32> to vector<4x128x128xf32>
    %slice3A_431 = vector.extract_strided_slice %reshape3A_130 {offsets = [5, 0, 0], sizes = [1, 128, 128], strides = [1, 1, 1]} : vector<9x128x128xf32> to vector<1x128x128xf32>
    %add3A_432 = vector.broadcast %slice3A_431 : vector<1x128x128xf32> to vector<4x128x128xf32>
    %add3A_433 = arith.addf %slice3A_430, %add3A_432 : vector<4x128x128xf32>
    %div3A_434 = arith.constant 2.000000e+00 : f32
    %div3A_435 = vector.broadcast %div3A_434 : f32 to vector<4x128x128xf32>
    %div3A_436 = arith.divf %add3A_433, %div3A_435 : vector<4x128x128xf32>
    %reshape3A_437 = vector.shape_cast %div3A_436 : vector<4x128x128xf32> to vector<512x128xf32>
    %get3A_438 = arith.constant 0 : index
    %get3A_439 = arith.constant 0 : index
    %get3A_440 = vector.load %arg14[%get3A_438, %get3A_439] : memref<128x128xf32, #tpu.memory_space<vmem>>, vector<128x128xf32>
    %dot_general3A_441 = arith.constant dense<0.000000e+00> : vector<512x128xf32>
    %dot_general3A_442 = tpu.matmul %reshape3A_437, %get3A_440, %dot_general3A_441 {dimension_numbers = #tpu.dot_dimension_numbers<[1], [0], [0], [1], [0, 0, 1, 1], [], []>, transpose_lhs_hint = false} : vector<512x128xf32>, vector<128x128xf32>, vector<512x128xf32> -> vector<512x128xf32>
    %get3A_443 = arith.constant 0 : index
    %get3A_444 = arith.constant 0 : index
    %get3A_445 = vector.load %arg15[%get3A_443, %get3A_444] : memref<1x128xf32, #tpu.memory_space<vmem>>, vector<1x128xf32>
    %add3A_446 = vector.broadcast %get3A_445 : vector<1x128xf32> to vector<512x128xf32>
    %add3A_447 = arith.addf %dot_general3A_442, %add3A_446 : vector<512x128xf32>
    %ge3A_448 = arith.constant 0.000000e+00 : f32
    %ge3A_449 = vector.broadcast %ge3A_448 : f32 to vector<512x128xf32>
    %ge3A_450 = arith.cmpf oge, %add3A_447, %ge3A_449 : vector<512x128xf32>
    %mul3A_451 = arith.constant 0.00999999977 : f32
    %mul3A_452 = vector.broadcast %mul3A_451 : f32 to vector<512x128xf32>
    %mul3A_453 = arith.mulf %mul3A_452, %add3A_447 : vector<512x128xf32>
    %select_n3A_454 = arith.select %ge3A_450, %add3A_447, %mul3A_453 : vector<512x128xi1>, vector<512x128xf32>
    %get3A_455 = arith.constant 0 : index
    %get3A_456 = arith.constant 0 : index
    %get3A_457 = vector.load %arg16[%get3A_455, %get3A_456] : memref<128x128xf32, #tpu.memory_space<vmem>>, vector<128x128xf32>
    %dot_general3A_458 = arith.constant dense<0.000000e+00> : vector<512x128xf32>
    %dot_general3A_459 = tpu.matmul %select_n3A_454, %get3A_457, %dot_general3A_458 {dimension_numbers = #tpu.dot_dimension_numbers<[1], [0], [0], [1], [0, 0, 1, 1], [], []>, transpose_lhs_hint = false} : vector<512x128xf32>, vector<128x128xf32>, vector<512x128xf32> -> vector<512x128xf32>
    %get3A_460 = arith.constant 0 : index
    %get3A_461 = arith.constant 0 : index
    %get3A_462 = vector.load %arg17[%get3A_460, %get3A_461] : memref<1x128xf32, #tpu.memory_space<vmem>>, vector<1x128xf32>
    %add3A_463 = vector.broadcast %get3A_462 : vector<1x128xf32> to vector<512x128xf32>
    %add3A_464 = arith.addf %dot_general3A_459, %add3A_463 : vector<512x128xf32>
    %ge3A_465 = arith.constant 0.000000e+00 : f32
    %ge3A_466 = vector.broadcast %ge3A_465 : f32 to vector<512x128xf32>
    %ge3A_467 = arith.cmpf oge, %add3A_464, %ge3A_466 : vector<512x128xf32>
    %mul3A_468 = arith.constant 0.00999999977 : f32
    %mul3A_469 = vector.broadcast %mul3A_468 : f32 to vector<512x128xf32>
    %mul3A_470 = arith.mulf %mul3A_469, %add3A_464 : vector<512x128xf32>
    %select_n3A_471 = arith.select %ge3A_467, %add3A_464, %mul3A_470 : vector<512x128xi1>, vector<512x128xf32>
    %get3A_472 = arith.constant 0 : index
    %get3A_473 = arith.constant 0 : index
    %get3A_474 = vector.load %arg18[%get3A_472, %get3A_473] : memref<128x5xf32, #tpu.memory_space<vmem>>, vector<128x5xf32>
    %dot_general3A_475 = arith.constant dense<0.000000e+00> : vector<512x5xf32>
    %dot_general3A_476 = tpu.matmul %select_n3A_471, %get3A_474, %dot_general3A_475 {dimension_numbers = #tpu.dot_dimension_numbers<[1], [0], [0], [1], [0, 0, 1, 1], [], []>, transpose_lhs_hint = false} : vector<512x128xf32>, vector<128x5xf32>, vector<512x5xf32> -> vector<512x5xf32>
    %get3A_477 = arith.constant 0 : index
    %get3A_478 = arith.constant 0 : index
    %get3A_479 = vector.load %arg19[%get3A_477, %get3A_478] : memref<1x5xf32, #tpu.memory_space<vmem>>, vector<1x5xf32>
    %add3A_480 = vector.broadcast %get3A_479 : vector<1x5xf32> to vector<512x5xf32>
    %add3A_481 = arith.addf %dot_general3A_476, %add3A_480 : vector<512x5xf32>
    %reshape3A_482 = vector.shape_cast %add3A_481 : vector<512x5xf32> to vector<4x128x5xf32>
    %swap3A_483 = arith.constant 5 : index
    %swap3A_484 = arith.constant 5 : index
    %swap3A_485 = arith.constant 0 : index
    %swap3A_486 = arith.constant 0 : index
    %swap3A_487 = vector.load %arg21[%swap3A_483, %swap3A_484, %swap3A_485, %swap3A_486] : memref<9x9x128x5xf32, #tpu.memory_space<vmem>>, vector<1x4x128x5xf32>
    %swap3A_488 = vector.shape_cast %swap3A_487 : vector<1x4x128x5xf32> to vector<4x128x5xf32>
    %swap3A_489 = vector.shape_cast %reshape3A_482 : vector<4x128x5xf32> to vector<1x4x128x5xf32>
    tpu.vector_store %arg21[%swap3A_483, %swap3A_484, %swap3A_485, %swap3A_486], %swap3A_489 {strides = array<i32>} : memref<9x9x128x5xf32, #tpu.memory_space<vmem>>, vector<1x4x128x5xf32>,
    %slice3A_490 = vector.extract_strided_slice %reshape3A_130 {offsets = [6, 0, 0], sizes = [3, 128, 128], strides = [1, 1, 1]} : vector<9x128x128xf32> to vector<3x128x128xf32>
    %slice3A_491 = vector.extract_strided_slice %reshape3A_130 {offsets = [6, 0, 0], sizes = [1, 128, 128], strides = [1, 1, 1]} : vector<9x128x128xf32> to vector<1x128x128xf32>
    %add3A_492 = vector.broadcast %slice3A_491 : vector<1x128x128xf32> to vector<3x128x128xf32>
    %add3A_493 = arith.addf %slice3A_490, %add3A_492 : vector<3x128x128xf32>
    %div3A_494 = arith.constant 2.000000e+00 : f32
    %div3A_495 = vector.broadcast %div3A_494 : f32 to vector<3x128x128xf32>
    %div3A_496 = arith.divf %add3A_493, %div3A_495 : vector<3x128x128xf32>
    %reshape3A_497 = vector.shape_cast %div3A_496 : vector<3x128x128xf32> to vector<384x128xf32>
    %get3A_498 = arith.constant 0 : index
    %get3A_499 = arith.constant 0 : index
    %get3A_500 = vector.load %arg14[%get3A_498, %get3A_499] : memref<128x128xf32, #tpu.memory_space<vmem>>, vector<128x128xf32>
    %dot_general3A_501 = arith.constant dense<0.000000e+00> : vector<384x128xf32>
    %dot_general3A_502 = tpu.matmul %reshape3A_497, %get3A_500, %dot_general3A_501 {dimension_numbers = #tpu.dot_dimension_numbers<[1], [0], [0], [1], [0, 0, 1, 1], [], []>, transpose_lhs_hint = false} : vector<384x128xf32>, vector<128x128xf32>, vector<384x128xf32> -> vector<384x128xf32>
    %get3A_503 = arith.constant 0 : index
    %get3A_504 = arith.constant 0 : index
    %get3A_505 = vector.load %arg15[%get3A_503, %get3A_504] : memref<1x128xf32, #tpu.memory_space<vmem>>, vector<1x128xf32>
    %add3A_506 = vector.broadcast %get3A_505 : vector<1x128xf32> to vector<384x128xf32>
    %add3A_507 = arith.addf %dot_general3A_502, %add3A_506 : vector<384x128xf32>
    %ge3A_508 = arith.constant 0.000000e+00 : f32
    %ge3A_509 = vector.broadcast %ge3A_508 : f32 to vector<384x128xf32>
    %ge3A_510 = arith.cmpf oge, %add3A_507, %ge3A_509 : vector<384x128xf32>
    %mul3A_511 = arith.constant 0.00999999977 : f32
    %mul3A_512 = vector.broadcast %mul3A_511 : f32 to vector<384x128xf32>
    %mul3A_513 = arith.mulf %mul3A_512, %add3A_507 : vector<384x128xf32>
    %select_n3A_514 = arith.select %ge3A_510, %add3A_507, %mul3A_513 : vector<384x128xi1>, vector<384x128xf32>
    %get3A_515 = arith.constant 0 : index
    %get3A_516 = arith.constant 0 : index
    %get3A_517 = vector.load %arg16[%get3A_515, %get3A_516] : memref<128x128xf32, #tpu.memory_space<vmem>>, vector<128x128xf32>
    %dot_general3A_518 = arith.constant dense<0.000000e+00> : vector<384x128xf32>
    %dot_general3A_519 = tpu.matmul %select_n3A_514, %get3A_517, %dot_general3A_518 {dimension_numbers = #tpu.dot_dimension_numbers<[1], [0], [0], [1], [0, 0, 1, 1], [], []>, transpose_lhs_hint = false} : vector<384x128xf32>, vector<128x128xf32>, vector<384x128xf32> -> vector<384x128xf32>
    %get3A_520 = arith.constant 0 : index
    %get3A_521 = arith.constant 0 : index
    %get3A_522 = vector.load %arg17[%get3A_520, %get3A_521] : memref<1x128xf32, #tpu.memory_space<vmem>>, vector<1x128xf32>
    %add3A_523 = vector.broadcast %get3A_522 : vector<1x128xf32> to vector<384x128xf32>
    %add3A_524 = arith.addf %dot_general3A_519, %add3A_523 : vector<384x128xf32>
    %ge3A_525 = arith.constant 0.000000e+00 : f32
    %ge3A_526 = vector.broadcast %ge3A_525 : f32 to vector<384x128xf32>
    %ge3A_527 = arith.cmpf oge, %add3A_524, %ge3A_526 : vector<384x128xf32>
    %mul3A_528 = arith.constant 0.00999999977 : f32
    %mul3A_529 = vector.broadcast %mul3A_528 : f32 to vector<384x128xf32>
    %mul3A_530 = arith.mulf %mul3A_529, %add3A_524 : vector<384x128xf32>
    %select_n3A_531 = arith.select %ge3A_527, %add3A_524, %mul3A_530 : vector<384x128xi1>, vector<384x128xf32>
    %get3A_532 = arith.constant 0 : index
    %get3A_533 = arith.constant 0 : index
    %get3A_534 = vector.load %arg18[%get3A_532, %get3A_533] : memref<128x5xf32, #tpu.memory_space<vmem>>, vector<128x5xf32>
    %dot_general3A_535 = arith.constant dense<0.000000e+00> : vector<384x5xf32>
    %dot_general3A_536 = tpu.matmul %select_n3A_531, %get3A_534, %dot_general3A_535 {dimension_numbers = #tpu.dot_dimension_numbers<[1], [0], [0], [1], [0, 0, 1, 1], [], []>, transpose_lhs_hint = false} : vector<384x128xf32>, vector<128x5xf32>, vector<384x5xf32> -> vector<384x5xf32>
    %get3A_537 = arith.constant 0 : index
    %get3A_538 = arith.constant 0 : index
    %get3A_539 = vector.load %arg19[%get3A_537, %get3A_538] : memref<1x5xf32, #tpu.memory_space<vmem>>, vector<1x5xf32>
    %add3A_540 = vector.broadcast %get3A_539 : vector<1x5xf32> to vector<384x5xf32>
    %add3A_541 = arith.addf %dot_general3A_536, %add3A_540 : vector<384x5xf32>
    %reshape3A_542 = vector.shape_cast %add3A_541 : vector<384x5xf32> to vector<3x128x5xf32>
    %swap3A_543 = arith.constant 6 : index
    %swap3A_544 = arith.constant 6 : index
    %swap3A_545 = arith.constant 0 : index
    %swap3A_546 = arith.constant 0 : index
    %swap3A_547 = vector.load %arg21[%swap3A_543, %swap3A_544, %swap3A_545, %swap3A_546] : memref<9x9x128x5xf32, #tpu.memory_space<vmem>>, vector<1x3x128x5xf32>
    %swap3A_548 = vector.shape_cast %swap3A_547 : vector<1x3x128x5xf32> to vector<3x128x5xf32>
    %swap3A_549 = vector.shape_cast %reshape3A_542 : vector<3x128x5xf32> to vector<1x3x128x5xf32>
    tpu.vector_store %arg21[%swap3A_543, %swap3A_544, %swap3A_545, %swap3A_546], %swap3A_549 {strides = array<i32>} : memref<9x9x128x5xf32, #tpu.memory_space<vmem>>, vector<1x3x128x5xf32>,
    %slice3A_550 = vector.extract_strided_slice %reshape3A_130 {offsets = [7, 0, 0], sizes = [2, 128, 128], strides = [1, 1, 1]} : vector<9x128x128xf32> to vector<2x128x128xf32>
    %slice3A_551 = vector.extract_strided_slice %reshape3A_130 {offsets = [7, 0, 0], sizes = [1, 128, 128], strides = [1, 1, 1]} : vector<9x128x128xf32> to vector<1x128x128xf32>
    %add3A_552 = vector.broadcast %slice3A_551 : vector<1x128x128xf32> to vector<2x128x128xf32>
    %add3A_553 = arith.addf %slice3A_550, %add3A_552 : vector<2x128x128xf32>
    %div3A_554 = arith.constant 2.000000e+00 : f32
    %div3A_555 = vector.broadcast %div3A_554 : f32 to vector<2x128x128xf32>
    %div3A_556 = arith.divf %add3A_553, %div3A_555 : vector<2x128x128xf32>
    %reshape3A_557 = vector.shape_cast %div3A_556 : vector<2x128x128xf32> to vector<256x128xf32>
    %get3A_558 = arith.constant 0 : index
    %get3A_559 = arith.constant 0 : index
    %get3A_560 = vector.load %arg14[%get3A_558, %get3A_559] : memref<128x128xf32, #tpu.memory_space<vmem>>, vector<128x128xf32>
    %dot_general3A_561 = arith.constant dense<0.000000e+00> : vector<256x128xf32>
    %dot_general3A_562 = tpu.matmul %reshape3A_557, %get3A_560, %dot_general3A_561 {dimension_numbers = #tpu.dot_dimension_numbers<[1], [0], [0], [1], [0, 0, 1, 1], [], []>, transpose_lhs_hint = false} : vector<256x128xf32>, vector<128x128xf32>, vector<256x128xf32> -> vector<256x128xf32>
    %get3A_563 = arith.constant 0 : index
    %get3A_564 = arith.constant 0 : index
    %get3A_565 = vector.load %arg15[%get3A_563, %get3A_564] : memref<1x128xf32, #tpu.memory_space<vmem>>, vector<1x128xf32>
    %add3A_566 = vector.broadcast %get3A_565 : vector<1x128xf32> to vector<256x128xf32>
    %add3A_567 = arith.addf %dot_general3A_562, %add3A_566 : vector<256x128xf32>
    %ge3A_568 = arith.constant 0.000000e+00 : f32
    %ge3A_569 = vector.broadcast %ge3A_568 : f32 to vector<256x128xf32>
    %ge3A_570 = arith.cmpf oge, %add3A_567, %ge3A_569 : vector<256x128xf32>
    %mul3A_571 = arith.constant 0.00999999977 : f32
    %mul3A_572 = vector.broadcast %mul3A_571 : f32 to vector<256x128xf32>
    %mul3A_573 = arith.mulf %mul3A_572, %add3A_567 : vector<256x128xf32>
    %select_n3A_574 = arith.select %ge3A_570, %add3A_567, %mul3A_573 : vector<256x128xi1>, vector<256x128xf32>
    %get3A_575 = arith.constant 0 : index
    %get3A_576 = arith.constant 0 : index
    %get3A_577 = vector.load %arg16[%get3A_575, %get3A_576] : memref<128x128xf32, #tpu.memory_space<vmem>>, vector<128x128xf32>
    %dot_general3A_578 = arith.constant dense<0.000000e+00> : vector<256x128xf32>
    %dot_general3A_579 = tpu.matmul %select_n3A_574, %get3A_577, %dot_general3A_578 {dimension_numbers = #tpu.dot_dimension_numbers<[1], [0], [0], [1], [0, 0, 1, 1], [], []>, transpose_lhs_hint = false} : vector<256x128xf32>, vector<128x128xf32>, vector<256x128xf32> -> vector<256x128xf32>
    %get3A_580 = arith.constant 0 : index
    %get3A_581 = arith.constant 0 : index
    %get3A_582 = vector.load %arg17[%get3A_580, %get3A_581] : memref<1x128xf32, #tpu.memory_space<vmem>>, vector<1x128xf32>
    %add3A_583 = vector.broadcast %get3A_582 : vector<1x128xf32> to vector<256x128xf32>
    %add3A_584 = arith.addf %dot_general3A_579, %add3A_583 : vector<256x128xf32>
    %ge3A_585 = arith.constant 0.000000e+00 : f32
    %ge3A_586 = vector.broadcast %ge3A_585 : f32 to vector<256x128xf32>
    %ge3A_587 = arith.cmpf oge, %add3A_584, %ge3A_586 : vector<256x128xf32>
    %mul3A_588 = arith.constant 0.00999999977 : f32
    %mul3A_589 = vector.broadcast %mul3A_588 : f32 to vector<256x128xf32>
    %mul3A_590 = arith.mulf %mul3A_589, %add3A_584 : vector<256x128xf32>
    %select_n3A_591 = arith.select %ge3A_587, %add3A_584, %mul3A_590 : vector<256x128xi1>, vector<256x128xf32>
    %get3A_592 = arith.constant 0 : index
    %get3A_593 = arith.constant 0 : index
    %get3A_594 = vector.load %arg18[%get3A_592, %get3A_593] : memref<128x5xf32, #tpu.memory_space<vmem>>, vector<128x5xf32>
    %dot_general3A_595 = arith.constant dense<0.000000e+00> : vector<256x5xf32>
    %dot_general3A_596 = tpu.matmul %select_n3A_591, %get3A_594, %dot_general3A_595 {dimension_numbers = #tpu.dot_dimension_numbers<[1], [0], [0], [1], [0, 0, 1, 1], [], []>, transpose_lhs_hint = false} : vector<256x128xf32>, vector<128x5xf32>, vector<256x5xf32> -> vector<256x5xf32>
    %get3A_597 = arith.constant 0 : index
    %get3A_598 = arith.constant 0 : index
    %get3A_599 = vector.load %arg19[%get3A_597, %get3A_598] : memref<1x5xf32, #tpu.memory_space<vmem>>, vector<1x5xf32>
    %add3A_600 = vector.broadcast %get3A_599 : vector<1x5xf32> to vector<256x5xf32>
    %add3A_601 = arith.addf %dot_general3A_596, %add3A_600 : vector<256x5xf32>
    %reshape3A_602 = vector.shape_cast %add3A_601 : vector<256x5xf32> to vector<2x128x5xf32>
    %swap3A_603 = arith.constant 7 : index
    %swap3A_604 = arith.constant 7 : index
    %swap3A_605 = arith.constant 0 : index
    %swap3A_606 = arith.constant 0 : index
    %swap3A_607 = vector.load %arg21[%swap3A_603, %swap3A_604, %swap3A_605, %swap3A_606] : memref<9x9x128x5xf32, #tpu.memory_space<vmem>>, vector<1x2x128x5xf32>
    %swap3A_608 = vector.shape_cast %swap3A_607 : vector<1x2x128x5xf32> to vector<2x128x5xf32>
    %swap3A_609 = vector.shape_cast %reshape3A_602 : vector<2x128x5xf32> to vector<1x2x128x5xf32>
    tpu.vector_store %arg21[%swap3A_603, %swap3A_604, %swap3A_605, %swap3A_606], %swap3A_609 {strides = array<i32>} : memref<9x9x128x5xf32, #tpu.memory_space<vmem>>, vector<1x2x128x5xf32>,
    %slice3A_610 = vector.extract_strided_slice %reshape3A_130 {offsets = [8, 0, 0], sizes = [1, 128, 128], strides = [1, 1, 1]} : vector<9x128x128xf32> to vector<1x128x128xf32>
    %slice3A_611 = vector.extract_strided_slice %reshape3A_130 {offsets = [8, 0, 0], sizes = [1, 128, 128], strides = [1, 1, 1]} : vector<9x128x128xf32> to vector<1x128x128xf32>
    %add3A_612 = arith.addf %slice3A_610, %slice3A_611 : vector<1x128x128xf32>
    %div3A_613 = arith.constant 2.000000e+00 : f32
    %div3A_614 = vector.broadcast %div3A_613 : f32 to vector<1x128x128xf32>
    %div3A_615 = arith.divf %add3A_612, %div3A_614 : vector<1x128x128xf32>
    %reshape3A_616 = vector.shape_cast %div3A_615 : vector<1x128x128xf32> to vector<128x128xf32>
    %get3A_617 = arith.constant 0 : index
    %get3A_618 = arith.constant 0 : index
    %get3A_619 = vector.load %arg14[%get3A_617, %get3A_618] : memref<128x128xf32, #tpu.memory_space<vmem>>, vector<128x128xf32>
    %dot_general3A_620 = arith.constant dense<0.000000e+00> : vector<128x128xf32>
    %dot_general3A_621 = tpu.matmul %reshape3A_616, %get3A_619, %dot_general3A_620 {dimension_numbers = #tpu.dot_dimension_numbers<[1], [0], [0], [1], [0, 0, 1, 1], [], []>, transpose_lhs_hint = false} : vector<128x128xf32>, vector<128x128xf32>, vector<128x128xf32> -> vector<128x128xf32>
    %get3A_622 = arith.constant 0 : index
    %get3A_623 = arith.constant 0 : index
    %get3A_624 = vector.load %arg15[%get3A_622, %get3A_623] : memref<1x128xf32, #tpu.memory_space<vmem>>, vector<1x128xf32>
    %add3A_625 = vector.broadcast %get3A_624 : vector<1x128xf32> to vector<128x128xf32>
    %add3A_626 = arith.addf %dot_general3A_621, %add3A_625 : vector<128x128xf32>
    %ge3A_627 = arith.constant 0.000000e+00 : f32
    %ge3A_628 = vector.broadcast %ge3A_627 : f32 to vector<128x128xf32>
    %ge3A_629 = arith.cmpf oge, %add3A_626, %ge3A_628 : vector<128x128xf32>
    %mul3A_630 = arith.constant 0.00999999977 : f32
    %mul3A_631 = vector.broadcast %mul3A_630 : f32 to vector<128x128xf32>
    %mul3A_632 = arith.mulf %mul3A_631, %add3A_626 : vector<128x128xf32>
    %select_n3A_633 = arith.select %ge3A_629, %add3A_626, %mul3A_632 : vector<128x128xi1>, vector<128x128xf32>
    %get3A_634 = arith.constant 0 : index
    %get3A_635 = arith.constant 0 : index
    %get3A_636 = vector.load %arg16[%get3A_634, %get3A_635] : memref<128x128xf32, #tpu.memory_space<vmem>>, vector<128x128xf32>
    %dot_general3A_637 = arith.constant dense<0.000000e+00> : vector<128x128xf32>
    %dot_general3A_638 = tpu.matmul %select_n3A_633, %get3A_636, %dot_general3A_637 {dimension_numbers = #tpu.dot_dimension_numbers<[1], [0], [0], [1], [0, 0, 1, 1], [], []>, transpose_lhs_hint = false} : vector<128x128xf32>, vector<128x128xf32>, vector<128x128xf32> -> vector<128x128xf32>
    %get3A_639 = arith.constant 0 : index
    %get3A_640 = arith.constant 0 : index
    %get3A_641 = vector.load %arg17[%get3A_639, %get3A_640] : memref<1x128xf32, #tpu.memory_space<vmem>>, vector<1x128xf32>
    %add3A_642 = vector.broadcast %get3A_641 : vector<1x128xf32> to vector<128x128xf32>
    %add3A_643 = arith.addf %dot_general3A_638, %add3A_642 : vector<128x128xf32>
    %ge3A_644 = arith.constant 0.000000e+00 : f32
    %ge3A_645 = vector.broadcast %ge3A_644 : f32 to vector<128x128xf32>
    %ge3A_646 = arith.cmpf oge, %add3A_643, %ge3A_645 : vector<128x128xf32>
    %mul3A_647 = arith.constant 0.00999999977 : f32
    %mul3A_648 = vector.broadcast %mul3A_647 : f32 to vector<128x128xf32>
    %mul3A_649 = arith.mulf %mul3A_648, %add3A_643 : vector<128x128xf32>
    %select_n3A_650 = arith.select %ge3A_646, %add3A_643, %mul3A_649 : vector<128x128xi1>, vector<128x128xf32>
    %get3A_651 = arith.constant 0 : index
    %get3A_652 = arith.constant 0 : index
    %get3A_653 = vector.load %arg18[%get3A_651, %get3A_652] : memref<128x5xf32, #tpu.memory_space<vmem>>, vector<128x5xf32>
    %dot_general3A_654 = arith.constant dense<0.000000e+00> : vector<128x5xf32>
    %dot_general3A_655 = tpu.matmul %select_n3A_650, %get3A_653, %dot_general3A_654 {dimension_numbers = #tpu.dot_dimension_numbers<[1], [0], [0], [1], [0, 0, 1, 1], [], []>, transpose_lhs_hint = false} : vector<128x128xf32>, vector<128x5xf32>, vector<128x5xf32> -> vector<128x5xf32>
    %get3A_656 = arith.constant 0 : index
    %get3A_657 = arith.constant 0 : index
    %get3A_658 = vector.load %arg19[%get3A_656, %get3A_657] : memref<1x5xf32, #tpu.memory_space<vmem>>, vector<1x5xf32>
    %add3A_659 = vector.broadcast %get3A_658 : vector<1x5xf32> to vector<128x5xf32>
    %add3A_660 = arith.addf %dot_general3A_655, %add3A_659 : vector<128x5xf32>
    %reshape3A_661 = vector.shape_cast %add3A_660 : vector<128x5xf32> to vector<1x128x5xf32>
    %swap3A_662 = arith.constant 8 : index
    %swap3A_663 = arith.constant 8 : index
    %swap3A_664 = arith.constant 0 : index
    %swap3A_665 = arith.constant 0 : index
    %swap3A_666 = vector.load %arg21[%swap3A_662, %swap3A_663, %swap3A_664, %swap3A_665] : memref<9x9x128x5xf32, #tpu.memory_space<vmem>>, vector<1x1x128x5xf32>
    %swap3A_667 = vector.shape_cast %swap3A_666 : vector<1x1x128x5xf32> to vector<1x128x5xf32>
    %swap3A_668 = vector.shape_cast %reshape3A_661 : vector<1x128x5xf32> to vector<1x1x128x5xf32>
    tpu.vector_store %arg21[%swap3A_662, %swap3A_663, %swap3A_664, %swap3A_665], %swap3A_668 {strides = array<i32>} : memref<9x9x128x5xf32, #tpu.memory_space<vmem>>, vector<1x1x128x5xf32>,
    return
  }
  func.func @transform_0(%arg0: i32) -> (i32, i32, i32) {
    %c0_i32 = arith.constant 0 : i32
    %c0_i32_0 = arith.constant 0 : i32
    %c0_i32_1 = arith.constant 0 : i32
    return %c0_i32, %arg0, %c0_i32_0 : i32, i32, i32
  }
  func.func @transform_1(%arg0: i32) -> (i32, i32, i32) {
    %c0_i32 = arith.constant 0 : i32
    %c0_i32_0 = arith.constant 0 : i32
    %c0_i32_1 = arith.constant 0 : i32
    %c0_i32_2 = arith.constant 0 : i32
    return %c0_i32, %c0_i32_0, %c0_i32_1 : i32, i32, i32
  }
  func.func @transform_2(%arg0: i32) -> (i32, i32) {
    %c0_i32 = arith.constant 0 : i32
    %c0_i32_0 = arith.constant 0 : i32
    %c0_i32_1 = arith.constant 0 : i32
    return %c0_i32, %c0_i32_0 : i32, i32
  }
  func.func @transform_3(%arg0: i32) -> (i32, i32) {
    %c0_i32 = arith.constant 0 : i32
    %c0_i32_0 = arith.constant 0 : i32
    %c0_i32_1 = arith.constant 0 : i32
    return %c0_i32, %c0_i32_0 : i32, i32
  }
  func.func @transform_4(%arg0: i32) -> (i32, i32) {
    %c0_i32 = arith.constant 0 : i32
    %c0_i32_0 = arith.constant 0 : i32
    %c0_i32_1 = arith.constant 0 : i32
    return %c0_i32, %c0_i32_0 : i32, i32
  }
  func.func @transform_5(%arg0: i32) -> (i32, i32) {
    %c0_i32 = arith.constant 0 : i32
    %c0_i32_0 = arith.constant 0 : i32
    %c0_i32_1 = arith.constant 0 : i32
    return %c0_i32, %c0_i32_0 : i32, i32
  }
  func.func @transform_6(%arg0: i32) -> (i32, i32) {
    %c0_i32 = arith.constant 0 : i32
    %c0_i32_0 = arith.constant 0 : i32
    %c0_i32_1 = arith.constant 0 : i32
    return %c0_i32, %c0_i32_0 : i32, i32
  }
  func.func @transform_7(%arg0: i32) -> (i32, i32) {
    %c0_i32 = arith.constant 0 : i32
    %c0_i32_0 = arith.constant 0 : i32
    %c0_i32_1 = arith.constant 0 : i32
    return %c0_i32, %c0_i32_0 : i32, i32
  }
  func.func @transform_8(%arg0: i32) -> (i32, i32) {
    %c0_i32 = arith.constant 0 : i32
    %c0_i32_0 = arith.constant 0 : i32
    %c0_i32_1 = arith.constant 0 : i32
    return %c0_i32, %c0_i32_0 : i32, i32
  }
  func.func @transform_9(%arg0: i32) -> (i32, i32) {
    %c0_i32 = arith.constant 0 : i32
    %c0_i32_0 = arith.constant 0 : i32
    %c0_i32_1 = arith.constant 0 : i32
    return %c0_i32, %c0_i32_0 : i32, i32
  }
  func.func @transform_10(%arg0: i32) -> (i32, i32) {
    %c0_i32 = arith.constant 0 : i32
    %c0_i32_0 = arith.constant 0 : i32
    %c0_i32_1 = arith.constant 0 : i32
    return %c0_i32, %c0_i32_0 : i32, i32
  }
  func.func @transform_11(%arg0: i32) -> (i32, i32) {
    %c0_i32 = arith.constant 0 : i32
    %c0_i32_0 = arith.constant 0 : i32
    %c0_i32_1 = arith.constant 0 : i32
    return %c0_i32, %c0_i32_0 : i32, i32
  }
  func.func @transform_12(%arg0: i32) -> (i32, i32) {
    %c0_i32 = arith.constant 0 : i32
    %c0_i32_0 = arith.constant 0 : i32
    %c0_i32_1 = arith.constant 0 : i32
    return %c0_i32, %c0_i32_0 : i32, i32
  }
  func.func @transform_13(%arg0: i32) -> (i32, i32) {
    %c0_i32 = arith.constant 0 : i32
    %c0_i32_0 = arith.constant 0 : i32
    %c0_i32_1 = arith.constant 0 : i32
    return %c0_i32, %c0_i32_0 : i32, i32
  }
  func.func @transform_14(%arg0: i32) -> (i32, i32) {
    %c0_i32 = arith.constant 0 : i32
    %c0_i32_0 = arith.constant 0 : i32
    %c0_i32_1 = arith.constant 0 : i32
    return %c0_i32, %c0_i32_0 : i32, i32
  }
  func.func @transform_15(%arg0: i32) -> (i32, i32) {
    %c0_i32 = arith.constant 0 : i32
    %c0_i32_0 = arith.constant 0 : i32
    %c0_i32_1 = arith.constant 0 : i32
    return %c0_i32, %c0_i32_0 : i32, i32
  }
  func.func @transform_16(%arg0: i32) -> (i32, i32) {
    %c0_i32 = arith.constant 0 : i32
    %c0_i32_0 = arith.constant 0 : i32
    %c0_i32_1 = arith.constant 0 : i32
    return %c0_i32, %c0_i32_0 : i32, i32
  }
  func.func @transform_17(%arg0: i32) -> (i32, i32) {
    %c0_i32 = arith.constant 0 : i32
    %c0_i32_0 = arith.constant 0 : i32
    %c0_i32_1 = arith.constant 0 : i32
    return %c0_i32, %c0_i32_0 : i32, i32
  }
  func.func @transform_18(%arg0: i32) -> (i32, i32) {
    %c0_i32 = arith.constant 0 : i32
    %c0_i32_0 = arith.constant 0 : i32
    %c0_i32_1 = arith.constant 0 : i32
    return %c0_i32, %c0_i32_0 : i32, i32
  }
  func.func @transform_19(%arg0: i32) -> (i32, i32, i32) {
    %c0_i32 = arith.constant 0 : i32
    %c0_i32_0 = arith.constant 0 : i32
    %c0_i32_1 = arith.constant 0 : i32
    return %c0_i32, %arg0, %c0_i32_0 : i32, i32, i32
  }
  func.func @transform_20(%arg0: i32) -> (i32, i32, i32, i32) {
    %c0_i32 = arith.constant 0 : i32
    %c0_i32_0 = arith.constant 0 : i32
    %c0_i32_1 = arith.constant 0 : i32
    %c0_i32_2 = arith.constant 0 : i32
    return %c0_i32, %c0_i32_0, %arg0, %c0_i32_1 : i32, i32, i32, i32
  }
}

</mosaic_0001>

<sc_bundles>
// kernel: gather_offload_async_start
scs
__scs_entry_jumppad:
0x0: {  	(pc) =	sbr.rel $0x88, $3  }
0x1: {  	(tag) =	ssettag $0x0;
	lr =	simm.s32 $0x1  }
0x2: {  	[smem:$0x3F6D] =	sst lr;
	_ =	strace $0xD0000000  }
0x3: {  	_ = 	snop  }
0x4: {  	_ = 	snop  }
0x5: {  	_ = 	snop  }
0x6: {  	_ = 	snop  }
0x7: {  	_ = 	snop  }
__scs_overlays_trampoline_lowered:
0x8: {  	[smem:$0x3F7C] =	sst s0  }
0x9: {  	[smem:$0x3F7D] =	sst s1  }
0xa: {  	[smem:$0x3F7E] =	sst s2  }
0xb: {  	[smem:$0x3F7F] =	sst s3  }
0xc: {  	[smem:$0x3F80] =	sst s4  }
0xd: {  	[smem:$0x3F81] =	sst s5  }
0xe: {  	[smem:$0x3F82] =	sst s6  }
0xf: {  	[smem:$0x3F83] =	sst s7  }
0x10: {  	[smem:$0x3F84] =	sst s8  }
0x11: {  	[smem:$0x3F85] =	sst s9;
	s0 =	simm.s32 @!p0 $0x0  }
0x12: {  	s1 =	sld [smem:$0x3F6B];
	s0 =	simm.s32 @p0 $0x1  }
0x13: {  	[smem:$0x3F86] =	sst s0;
	s0 =	simm.s32 @!p1 $0x0  }
0x14: {  	s2 =	sld [smem:$0x3F6A];
	s0 =	simm.s32 @p1 $0x1  }
0x15: {  	[smem:$0x3F87] =	sst s0;
	s0 =	simm.s32 @!p2 $0x0  }
0x16: {  	s3 =	sld [smem:$0x3FDB];
	s0 =	simm.s32 @p2 $0x1  }
0x17: {  	s4 =	simm.s32 $0x1BF5;
	[smem:$0x3F89] =	sst s0  }
0x18: {  	s0 =	sld [smem:$0x3F6C];
	_ =	swait.ge [sflag:s4], $0x0  }
0x19: {  	s7 =	sld [smem:$0x3F6D]  }
0x1a: {  	s8 =	sadd.s32 $0xFFFFE003, lr  }
0x1b: {  	s9 =	sadd.s32 $0xFFFFFEF7, lr;
	s5 =	simm.s32 $0xFFFFFFFF;
	p2 =	slt.u32 s8, $0xFFFFF086  }
0x1c: {  	p1 =	slt.u32 s9, $0xF7A;
	s5 =	simm.s32 @!p2 $0x0  }
0x1d: {  	s5 =	simm.s32 @p1 $0x1;
	p0 =	seq.s32 s7, s2  }
0x1e: {  	s7 =	smul.u32 @!p0 $0xF7A, s2;
	p2 =	seq.s32 @!p0 s5, $0x0  }
0x1f: {  	s9 =	smul.u32 $0xF7A, s1;
	s8 =	simm.s32 @!p0 $0x1BF5;
	p2 =	por !p2, p0  }
0x20: {  	[sflag:s8] =	ssyncset.s32 @!p0 $0xFFFFF086;
	s6 =	sadd.s32 @!p0 s3, s7;
	s7 =	simm.s32 @!p0 $0x108  }
0x21: {  	s3 =	sadd.s32 s3, s9;
	s6 =	sadd.s32 @!p0 $0x88, s6;
	s7 =	simm.s32 @p2 $0x1082  }
0x22: {  	[simem:s7], [sflag:s8] =	dma.local @!p0 [hbm:s6], $0xF7A  }
0x23: {  	s9 =	sor.u32 $0xD0000000, s2;
	s6 =	simm.s32 $0x108;
	_ =	swait.ge @!p0 [sflag:s8], $0x0  }
0x24: {  	s3 =	sadd.s32 $0x88, s3;
	s6 =	simm.s32 @!p1 $0x1082;
	[sflag:s4] =	ssyncset.s32 $0xFFFFF086  }
0x25: {  	[simem:s6], [sflag:s4] =	dma.local [hbm:s3], $0xF7A  }
0x26: {  	[smem:$0x3F6D] =	sst s1;
	(tag) =	ssettag s2;
	_ =	strace s9  }
0x27: {  	s1 =	sld [smem:$0x3F7D]  }
0x28: {  	s2 =	sld [smem:$0x3F7E]  }
0x29: {  	s4 =	sld [smem:$0x3F80]  }
0x2a: {  	p0 =	seq.s32 s5, $0x0;
	s5 =	sld [smem:$0x3F81]  }
0x2b: {  	s6 =	sld [smem:$0x3F82]  }
0x2c: {  	s7 =	sld [smem:$0x3F83]  }
0x2d: {  	s3 =	simm.s32 $0x108;
	s8 =	sld [smem:$0x3F84]  }
0x2e: {  	s3 =	simm.s32 @!p0 $0x1082;
	s9 =	sld [smem:$0x3F85]  }
0x2f: {  	lr =	sadd.s32 s0, s3;
	s0 =	sld [smem:$0x3F7C]  }
0x30: {  	s3 =	sld [smem:$0x3F7F]  }
0x31: {  	[smem:$0x3F88] =	sst s10  }
0x32: {  	s10 =	sld [smem:$0x3F86];
	_ =	sdelay $0x3  }
0x33: {  	p0 =	seq.s32 s10, $0x1;
	s10 =	sld [smem:$0x3F88];
	_ =	sdelay $0x3  }
0x34: {  	[smem:$0x3F88] =	sst s10  }
0x35: {  	s10 =	sld [smem:$0x3F87];
	_ =	sdelay $0x3  }
0x36: {  	p1 =	seq.s32 s10, $0x1;
	s10 =	sld [smem:$0x3F88];
	_ =	sdelay $0x3  }
0x37: {  	[smem:$0x3F88] =	sst s10  }
0x38: {  	s10 =	sld [smem:$0x3F89]  }
0x39: {  	_ = 	snop;
	(pc) =	sbr.ind lr, $3  }
0x3a: {  	_ = 	snop  }
0x3b: {  	_ = 	snop  }
0x3c: {  	p2 =	seq.s32 s10, $0x1;
	s10 =	sld [smem:$0x3F88]  }
0x3d: {  	_ =	shalt  }
0x3e: {  	_ =	shalt  }
0x3f: {  	_ =	shalt  }
0x40: {  	_ =	shalt  }
0x41: {  	_ =	shalt  }
0x42: {  	_ =	shalt  }
0x43: {  	_ =	shalt  }
0x44: {  	_ =	shalt  }
0x45: {  	_ =	shalt  }
0x46: {  	_ =	shalt  }
0x47: {  	_ =	shalt  }
0x48: {  	_ =	shalt  }
0x49: {  	_ =	shalt  }
0x4a: {  	_ =	shalt  }
0x4b: {  	_ =	shalt  }
0x4c: {  	_ =	shalt  }
0x4d: {  	_ =	shalt  }
0x4e: {  	_ =	shalt  }
0x4f: {  	_ =	shalt  }
0x50: {  	_ =	shalt  }
0x51: {  	_ =	shalt  }
0x52: {  	_ =	shalt  }
0x53: {  	_ =	shalt  }
0x54: {  	_ =	shalt  }
0x55: {  	_ =	shalt  }
0x56: {  	_ =	shalt  }
0x57: {  	_ =	shalt  }
0x58: {  	_ =	shalt  }
0x59: {  	_ =	shalt  }
0x5a: {  	_ =	shalt  }
0x5b: {  	_ =	shalt  }
0x5c: {  	_ =	shalt  }
0x5d: {  	_ =	shalt  }
0x5e: {  	_ =	shalt  }
0x5f: {  	_ =	shalt  }
0x60: {  	_ =	shalt  }
0x61: {  	_ =	shalt  }
0x62: {  	_ =	shalt  }
0x63: {  	_ =	shalt  }
0x64: {  	_ =	shalt  }
0x65: {  	_ =	shalt  }
0x66: {  	_ =	shalt  }
0x67: {  	_ =	shalt  }
0x68: {  	_ =	shalt  }
0x69: {  	_ =	shalt  }
0x6a: {  	_ =	shalt  }
0x6b: {  	_ =	shalt  }
0x6c: {  	_ =	shalt  }
0x6d: {  	_ =	shalt  }
0x6e: {  	_ =	shalt  }
0x6f: {  	_ =	shalt  }
0x70: {  	_ =	shalt  }
0x71: {  	_ =	shalt  }
0x72: {  	_ =	shalt  }
0x73: {  	_ =	shalt  }
0x74: {  	_ =	shalt  }
0x75: {  	_ =	shalt  }
0x76: {  	_ =	shalt  }
0x77: {  	_ =	shalt  }
0x78: {  	_ =	shalt  }
0x79: {  	_ =	shalt  }
0x7a: {  	_ =	shalt  }
0x7b: {  	_ =	shalt  }
0x7c: {  	_ =	shalt  }
0x7d: {  	_ =	shalt  }
0x7e: {  	_ =	shalt  }
0x7f: {  	_ =	shalt  }
0x80: {  	_ =	shalt  }
0x81: {  	_ =	shalt  }
0x82: {  	_ =	shalt  }
0x83: {  	_ =	shalt  }
0x84: {  	_ =	shalt  }
0x85: {  	_ =	shalt  }
0x86: {  	_ =	shalt  }
0x87: {  	_ =	shalt  }
.Lfunc_end0:
.L_simem_size_0:
called_computation_lowered:
.L_overlay_start_0:
0x88: {  	s2 =	sld [smem:$0x3FD9]  }
0x89: {  	s3 =	sld [smem:$0x3FFE];
	_ =	sdelay $0x1  }
0x8a: {  	s1 =	srdreg.scid  }
0x8b: {  	s0 =	sand.u32 $0x1, s1  }
0x8c: {  	s14 =	sshll.u32 s0, $0xA;
	s2 =	sadd.s32 s3, s2  }
0x8d: {  	s2 =	sadd.s32 s2, s14  }
0x8e: {  	[smem:$0x3F94] =	sst s2  }
0x8f: {  	_ = 	snop  }
0x90: {  	s2 =	sld [smem:$0x3FD0];
	_ =	sdelay $0x2  }
0x91: {  	s15 =	simm.s32 $0xA;
	s4 =	simm.s32 $0x10  }
0x92: {  	[smem:s4], [sflag:s15] =	dma.local [hbm:s2], $0x1  }
0x93: {  	_ =	swait.eq [sflag:s15], $0x1  }
0x94: {  	[sflag:s15] =	ssyncset.done $0x0  }
0x95: {  	[sflag:s15] =	ssyncadd.s32 $0xFFFFFFFF  }
0x96: {  	s16 =	sld [smem:$0x11];
	(tm) =	ssettm $0x1  }
0x97: {  	s17 =	sld [smem:$0x3FFB];
	_ =	sdelay $0x3  }
0x98: {  	_ =	strace s17  }
0x99: {  	s3 =	sld [smem:$0x3FFC];
	_ =	sdelay $0x3  }
0x9a: {  	_ =	strace s3  }
0x9b: {  	s3 =	sld [smem:$0x3FFD];
	_ =	sdelay $0x3  }
0x9c: {  	_ =	strace s3  }
0x9d: {  	_ =	strace $0x8FFFFFFF  }
0x9e: {  	s18 =	sld [smem:$0x3FDB];
	_ =	sdelay $0x1  }
0x9f: {  	s19 =	simm.s32 $_scs_section_size  }
0xa0: {  	s5 =	simm.s32 $_size__tile_overlayer_lowered;
	s6 =	simm.s32 $_tile_overlayer_lowered  }
0xa1: {  	s22 =	simm.s32 $0x1BFF;
	s21 =	sshll.u32 s6, $0x1;
	s3 =	sadd.s32 s19, s18  }
0xa2: {  	s7 =	simm.s32 $0x0;
	s20 =	sshll.u32 s5, $0x1;
	s5 =	sadd.s32 s21, s3  }
0xa3: {  	[timem:s7], [sflag:s22] =	dma.local [hbm:s5], s20  }
0xa4: {  	_ =	swait.ge [sflag:s22], s20  }
0xa5: {  	s4 =	ssub.s32 $0x0, s20;
	[sflag:s22] =	ssyncset.done $0x0  }
0xa6: {  	[sflag:s22] =	ssyncadd.s32 s4;
	_ =	sdelay $0x1  }
0xa7: {  	s23 =	simm.s32 $0x1B8B  }
0xa8: {  	_ =	swait.ge [sflag:s23], $0x1  }
0xa9: {  	[sflag:s23] =	ssyncset.done $0x0  }
0xaa: {  	s25 =	simm.s32 $0x1B8E;
	s24 =	sld [smem:$0x3FFE];
	[sflag:s23] =	ssyncadd.s32 $0xFFFFFFFF  }
0xab: {  	s26 =	simm.s32 $execute0_lowered;
	[smem:$0x3FD2] =	sst s25  }
0xac: {  	s5 =	sshll.u32 s26, $0x1;
	_ =	strace $0x80000046;
	[dreg:$0x1] =	wrdreg $0xFFFFFFFF  }
0xad: {  	s28 =	simm.s32 $_size_execute0_lowered;
	s3 =	sadd.s32 s3, s5;
	[dreg:$0x0] =	wrdreg $0x0  }
0xae: {  	s5 =	sshll.u32 s28, $0x1;
	[dreg:$0x2] =	wrdreg s3  }
0xaf: {  	[dreg:$0x3] =	wrdreg s5  }
0xb0: {  	[dreg:$0x4] =	wrdreg $0xC0  }
0xb1: {  	_ =	task [dreg:s7], $0x5FFFF  }
0xb2: {  	[dreg:$0x1] =	wrdreg $0xFFFFFFFF  }
0xb3: {  	[dreg:$0x0] =	wrdreg $0x60  }
0xb4: {  	[dreg:$0x2] =	wrdreg s24  }
0xb5: {  	[dreg:$0x3] =	wrdreg s16  }
0xb6: {  	[dreg:$0x4] =	wrdreg $0x9  }
0xb7: {  	_ =	task.clear_ibuf [dreg:s7], $0x5FFFF;
	_ =	strace $0x90000046  }
0xb8: {  	s29 =	simm.s32 $0x9;
	_ =	strace $0x80000048  }
0xb9: {  	_ =	swait.ge [sflag:s29], $0x1  }
0xba: {  	[sflag:s29] =	ssyncadd.s32 $0xFFFFFFFF  }
0xbb: {  	_ =	strace $0x90000048  }
0xbc: {  	_ =	sfence  }
0xbd: {  	s30 =	sld [smem:$0x0];
	_ =	sdelay $0x2  }
0xbe: {  	s31 =	sshll.u32 s1, $0xD;
	s1 =	sshrl.u32 s1, $0x2  }
0xbf: {  	s3 =	sand.u32 $0x4000, s31;
	s1 =	sadd.s32 s1, s30  }
0xc0: {  	s0 =	sor.u32 s3, s0;
	s1 =	sshll.u32 s1, $0x11  }
0xc1: {  	s0 =	sor.u32 s1, s0  }
0xc2: {  	s0 =	sadd.s32 $0x8F2B, s0  }
0xc3: {  	[sflag:s0] =	ssyncadd.remote.s32 $0x1  }
0xc4: {  	_ =	sfence.sel $0xFFFF  }
0xc5: {  	[dreg:$0x0] =	wrdreg $0xFFFFFFFF;
	(pc) =	sbr.abs _section_cstart, $3  }
0xc6: {  	[dreg:$0x1] =	wrdreg $0xFFFFFFFF  }
0xc7: {  	_ =	task.clear_ibuf [dreg:s7], $0x2FFFF;
	_ =	strace $0x9FFFFFFF  }
0xc8: {  	(tm) =	ssettm $0x7FFFFFFF  }
0xc9: {  	_ =	shalt  }
tec
execute0_lowered:
.L_overlay_start_1:
0x0: {  	(tag) =	ssettag $0x1  }
0x1: {  	s0 =	stileid.u32;
	s1 =	srdreg.scid  }
0x2: {  	s1 =	sand.u32 $0x1, s1;
	s2 =	sshll.u32 s0, $0x1  }
0x3: {  	s1 =	sor.u32 s2, s1  }
0x4: {  	s2 =	smul.u32 $0x1B00, s1;
	_ =	sdelay $0x1  }
0x5: {  	s7 =	ssub.s32 $0xA2000, s2  }
0x6: {  	s5 =	rddreg [dreg:$0x0];
	s4 =	smulhi.u32 $0x97B43, s7  }
0x7: {  	s3 =	rddreg [dreg:$0x1];
	s6 =	simm.s32 $0x1;
	s10 =	simm.s32 $0x3  }
0x8: {  	s13 =	simm.s32 $0x0;
	s12 =	simm.s32 $0x0;
	s8 =	sshrl.u32 s4, $0x5  }
0x9: {  	s1 =	rddreg [dreg:$0x2];
	_ =	strace $0x80000047;
	s9 =	smul.u32 $0x36000, s8  }
.Ltmp0:
0xa: {  	[sflag:s6] =	ssyncpa.u1 $0x0;
	s11 =	smov.u32 s2;
	(pc) =	sbr.rel .LBB2_1-.Ltmp0, $4  }
0xb: {  	s4 =	sadd.s32 $0x15AE00, s5;
	p0 =	sne.s32 s7, s9;
	s9 =	simm.s32 $0x1  }
0xc: {  	s5 =	sadd.s32 $0x6A00, s5;
	s7 =	simm.s32 $0x2;
	s9 =	simm.s32 @!p0 $0x0  }
0xd: {  	[sflag:s7] =	ssyncpa.u1 $0x0;
	p0 =	por $0x0, $0x0;
	s8 =	sadd.s32 s9, s8  }
0xe: {  	vm0 =	vmmov $0xffff;
	v0 =	vlaneseq.u32;
	[sflag:s10] =	ssyncpa.u1 $0x0;
	s10 =	simm.s32 $0x0;
	s9 =	sadd.s32 $0x1, s8  }
.LBB2_4:
0xf: {  	_ =	sdelay $0x1  }
0x10: {  	(ifvalue) =	ssetifvalue $0x7FFFFFFF;
	s15 =	sor.u32 $0x380, s21  }
0x11: {  	s30 =	sshll.u32 s13, $0x3;
	s15 =	sadd.s32 s15, s14;
	(ifvalue) =	ssetifvalue $0x7FFFFFFF  }
0x12: {  	[tilespmem:s15], [sflag:$0x1] =	stream.indirect_vreg.gather [hbm4b:s4+s10], $0x1, v1, vm0, $0x4038;
	[tilespmem:$0x1E600] =	vst v63  }
0x13: {  	s31 =	sand.u32 $0x78, s13;
	s15 =	sand.u32 $0xFFFFFC00, s30  }
0x14: {  	_ =	swait.ge [sflag:s6], $0xD800;
	s13 =	sor.u32 s31, s15  }
0x15: {  	[sflag:s6] =	ssyncset.done $0x0;
	s13 =	sshrl.u32 s13, $0x3  }
0x16: {  	[sflag:s6] =	ssyncadd.s32 $0xFFFF2800;
	s13 =	sadd.s32 s3, s13  }
0x17: {  	[hbm:s13] =	stream.linear.scatter [tilespmem:s14], [sflag:$0x3], $0xD800, $0x38;
	[tilespmem:$0x1E600] =	vst v63  }
.LBB2_5:
0x18: {  	s15 =	sadd.s32 $0x36000, s11  }
0x19: {  	p2 =	sgt.s32 s15, $0xA1FFF  }
0x1a: {  	s15 =	smov.u32 @p2 s2;
	p2 =	sne.s32 s12, s9  }
.Ltmp1:
0x1b: {  	p1 =	slt.u32 s12, $0x2;
	(pc) =	sbr.rel @!p2 .LBB2_6-.Ltmp1, $4  }
0x1c: {  	s14 =	simm.s32 @!p1 $0x3  }
0x1d: {  	s16 =	sadd.s32 $0x1, s12;
	_ =	swait.ge @!p1 [sflag:s14], $0xD800  }
0x1e: {  	s13 =	smov.u32 s11;
	p0 =	por !p0, !p0;
	[sflag:s14] =	ssyncset.done @!p1 $0x0  }
0x1f: {  	s12 =	smov.u32 s16;
	s11 =	smov.u32 s15;
	[sflag:s14] =	ssyncadd.s32 @!p1 $0xFFFF2800  }
.LBB2_1:
0x20: {  	p1 =	sge.u32 s12, s8  }
0x21: {  	s14 =	sxor.u32 @!p1 $0xFFFFFFFF, s12  }
0x22: {  	s14 =	sand.u32 @!p1 $0x1, s14  }
0x23: {  	s14 =	smul.u32 @!p1 $0x6C00, s14  }
0x24: {  	s31 =	sadd.s32 $0xFFFFFFFF, s12;
	s15 =	sshrl.u32 @!p1 s11, $0x3  }
0x25: {  	s16 =	sand.u32 @!p1 $0x7, s11;
	s15 =	sadd.s32 @!p1 s5, s15;
	s14 =	sshrl.u32 @!p1 s14, $0x2  }
0x26: {  	[tilespmem:s14], [sflag:$0x2] =	stream.linear.gather @!p1 [hbm4b:s15+s16], $0x1B00, $0x38;
	[tilespmem:$0x1E600] =	vst v63  }
0x27: {  	p1 =	sge.u32 s31, s8  }
.Ltmp2:
0x28: {  	_ = 	snop;
	(pc) =	sbr.rel @p1 .LBB2_5-.Ltmp2, $1  }
0x29: {  	_ =	sdelay $0x3  }
0x2a: {  	s14 =	simm.s32 $0x1  }
0x2b: {  	s14 =	simm.s32 @!p0 $0x0  }
0x2c: {  	_ =	swait.ge [sflag:s7], $0x1B00;
	s14 =	smul.u32 $0x6C00, s14  }
0x2d: {  	[sflag:s7] =	ssyncset.done $0x0  }
0x2e: {  	[sflag:s7] =	ssyncadd.s32 $0xFFFFE500;
	s18 =	sshrl.u32 s14, $0x2  }
0x2f: {  	v1 =	vld.msk [tilespmem:s18+$0x0 ss:$0x1], $0xffff;
	_ =	sdelay $0x2  }
0x30: {  	s17 =	ssub.s32 $0xA2000, s13  }
0x31: {  	p1 =	slt.s32 s17, $0x1B00  }
0x32: {  	s17 =	simm.s32 @!p1 $0x1B00;
	vm1 =	vgt.s32 v1, $0x0  }
0x33: {  	p1 =	sgt.s32 s17, $0x0;
	s14 =	smov.u32 s17;
	v1 =	vnsel vm1, $0x0, v1  }
0x34: {  	s14 =	simm.s32 @!p1 $0x0;
	v1 =	vmin.u32 v1, $0xA1FFF  }
0x35: {  	s14 =	smin.u32 s14, $0x10;
	v2 =	vshll.u32 v1, $0x3  }
0x36: {  	s15 =	sand.u32 $0x1, s12;
	v3 =	vmov s14;
	v1 =	vand.u32 $0x7F, v1;
	v2 =	vand.u32 $0x7FFC00, v2  }
0x37: {  	s26 =	smul.u32 $0x36000, s15;
	vm1 =	vgt.u32 v3, v0;
	v1 =	vor.u32 v1, v2  }
0x38: {  	v2 =	vnsel vm1, $0x7FFFFFFF, v1  }
0x39: {  	s16 =	simm.s32 $0x0;
	s14 =	sshrl.u32 s26, $0x2  }
0x3a: {  	s15 =	simm.s32 $0x0;
	s16 =	sand.u32 $0xFC00, s16;
	s14 =	sadd.s32 $0x3600, s14;
	v3 =	vor.u32 $0x80, v1  }
0x3b: {  	s19 =	sand.u32 $0x70, s15;
	(ifvalue) =	ssetifvalue $0x7FFFFFFF;
	s16 =	sadd.s32 s16, s14;
	v3 =	vnsel vm1, $0x7FFFFFFF, v3  }
0x3c: {  	(ifvalue) =	ssetifvalue $0x7FFFFFFF;
	s19 =	sadd.s32 s19, s16  }
0x3d: {  	v4 =	vor.u32 $0x100, v1;
	[tilespmem:s19], [sflag:$0x1] =	stream.indirect_vreg.gather [hbm4b:s4+s10], $0x1, v2, vm0, $0x4038;
	[tilespmem:$0x1E600] =	vst v63  }
0x3e: {  	v2 =	vnsel vm1, $0x7FFFFFFF, v4;
	(ifvalue) =	ssetifvalue $0x7FFFFFFF  }
0x3f: {  	s16 =	sadd.s32 $0x80, s19;
	(ifvalue) =	ssetifvalue $0x7FFFFFFF  }
0x40: {  	v60 =	vor.u32 $0x180, v1;
	[tilespmem:s16], [sflag:$0x1] =	stream.indirect_vreg.gather [hbm4b:s4+s10], $0x1, v3, vm0, $0x4038;
	[tilespmem:$0x1E600] =	vst v63  }
0x41: {  	v3 =	vnsel vm1, $0x7FFFFFFF, v60;
	(ifvalue) =	ssetifvalue $0x7FFFFFFF  }
0x42: {  	s28 =	sadd.s32 $0x100, s19;
	(ifvalue) =	ssetifvalue $0x7FFFFFFF  }
0x43: {  	v61 =	vor.u32 $0x200, v1;
	[tilespmem:s28], [sflag:$0x1] =	stream.indirect_vreg.gather [hbm4b:s4+s10], $0x1, v2, vm0, $0x4038;
	[tilespmem:$0x1E600] =	vst v63  }
0x44: {  	v2 =	vnsel vm1, $0x7FFFFFFF, v61;
	(ifvalue) =	ssetifvalue $0x7FFFFFFF  }
0x45: {  	s29 =	sadd.s32 $0x180, s19;
	(ifvalue) =	ssetifvalue $0x7FFFFFFF  }
0x46: {  	v62 =	vor.u32 $0x280, v1;
	[tilespmem:s29], [sflag:$0x1] =	stream.indirect_vreg.gather [hbm4b:s4+s10], $0x1, v3, vm0, $0x4038;
	[tilespmem:$0x1E600] =	vst v63  }
0x47: {  	v3 =	vnsel vm1, $0x7FFFFFFF, v62;
	(ifvalue) =	ssetifvalue $0x7FFFFFFF  }
0x48: {  	s30 =	sadd.s32 $0x200, s19;
	(ifvalue) =	ssetifvalue $0x7FFFFFFF  }
0x49: {  	v63 =	vor.u32 $0x300, v1;
	[tilespmem:s30], [sflag:$0x1] =	stream.indirect_vreg.gather [hbm4b:s4+s10], $0x1, v2, vm0, $0x4038;
	[tilespmem:$0x1E600] =	vst v63  }
0x4a: {  	s20 =	sand.u32 $0x7, s15;
	v2 =	vnsel vm1, $0x7FFFFFFF, v63;
	(ifvalue) =	ssetifvalue $0x7FFFFFFF  }
0x4b: {  	s21 =	sshll.u32 s20, $0x4;
	s31 =	sadd.s32 $0x280, s19;
	(ifvalue) =	ssetifvalue $0x7FFFFFFF  }
0x4c: {  	[tilespmem:s31], [sflag:$0x1] =	stream.indirect_vreg.gather [hbm4b:s4+s10], $0x1, v3, vm0, $0x4038;
	[tilespmem:$0x1E600] =	vst v63  }
0x4d: {  	s20 =	simm.s32 $0x1;
	s17 =	sadd.s32 $0xFFFFFFF0, s17;
	v1 =	vor.u32 $0x380, v1;
	(ifvalue) =	ssetifvalue $0x7FFFFFFF  }
0x4e: {  	s21 =	sadd.s32 $0x0, s21;
	v1 =	vnsel vm1, $0x7FFFFFFF, v1;
	s19 =	sadd.s32 $0x300, s19;
	(ifvalue) =	ssetifvalue $0x7FFFFFFF  }
0x4f: {  	[tilespmem:s19], [sflag:$0x1] =	stream.indirect_vreg.gather [hbm4b:s4+s10], $0x1, v2, vm0, $0x4038;
	[tilespmem:$0x1E600] =	vst v63  }
0x50: {  	s18 =	sadd.s32 $0x10, s18;
	s16 =	simm.s32 $0x10;
	s19 =	simm.s32 $0xFFFF2880  }
.LBB2_3:
0x51: {  	(ifvalue) =	ssetifvalue $0x7FFFFFFF;
	s21 =	sor.u32 $0x380, s21;
	s15 =	sadd.s32 $0x80, s15  }
0x52: {  	p1 =	sne.s32 s16, $0x1AF0;
	s21 =	sadd.s32 s21, s14;
	(ifvalue) =	ssetifvalue $0x7FFFFFFF  }
0x53: {  	[tilespmem:s21], [sflag:$0x1] =	stream.indirect_vreg.gather [hbm4b:s4+s10], $0x1, v1, vm0, $0x4038;
	[tilespmem:$0x1E600] =	vst v63  }
0x54: {  	s21 =	smov.u32 s16;
	s16 =	sadd.s32 $0x10, s16;
	v1 =	vld.msk [tilespmem:s18+$0x0 ss:$0x1], $0xffff;
	_ =	sdelay $0x4  }
0x55: {  	p2 =	sgt.s32 s17, $0x0;
	s22 =	smov.u32 s17  }
0x56: {  	s22 =	simm.s32 @!p2 $0x0;
	vm1 =	vgt.s32 v1, $0x0  }
0x57: {  	s22 =	smin.u32 s22, $0x10;
	v1 =	vnsel vm1, $0x0, v1  }
0x58: {  	v2 =	vmov s22;
	v1 =	vmin.u32 v1, $0xA1FFF  }
0x59: {  	vm1 =	vgt.u32 v2, v0;
	v3 =	vshll.u32 v1, $0x3  }
0x5a: {  	v1 =	vand.u32 $0x7F, v1;
	v2 =	vand.u32 $0x7FFC00, v3  }
0x5b: {  	s22 =	sadd.s32 $0xD800, s19;
	v1 =	vor.u32 v1, v2  }
0x5c: {  	s22 =	sand.u32 $0xFC00, s22;
	v2 =	vnsel vm1, $0x7FFFFFFF, v1;
	v3 =	vor.u32 $0x80, v1;
	v4 =	vor.u32 $0x100, v1  }
0x5d: {  	s21 =	sand.u32 $0x70, s21;
	s22 =	sadd.s32 s22, s14;
	v5 =	vor.u32 $0x180, v1;
	v3 =	vnsel vm1, $0x7FFFFFFF, v3;
	v4 =	vnsel vm1, $0x7FFFFFFF, v4;
	(ifvalue) =	ssetifvalue $0x7FFFFFFF  }
0x5e: {  	s22 =	sadd.s32 s21, s22;
	v6 =	vor.u32 $0x200, v1;
	v7 =	vor.u32 $0x280, v1;
	v5 =	vnsel vm1, $0x7FFFFFFF, v5;
	(ifvalue) =	ssetifvalue $0x7FFFFFFF  }
0x5f: {  	v8 =	vor.u32 $0x300, v1;
	v6 =	vnsel vm1, $0x7FFFFFFF, v6;
	v7 =	vnsel vm1, $0x7FFFFFFF, v7  }
0x60: {  	v1 =	vor.u32 $0x380, v1;
	v8 =	vnsel vm1, $0x7FFFFFFF, v8  }
0x61: {  	v1 =	vnsel vm1, $0x7FFFFFFF, v1;
	[tilespmem:s22], [sflag:$0x1] =	stream.indirect_vreg.gather [hbm4b:s4+s10], $0x1, v2, vm0, $0x4038;
	[tilespmem:$0x1E600] =	vst v63  }
0x62: {  	(ifvalue) =	ssetifvalue $0x7FFFFFFF  }
0x63: {  	s21 =	sadd.s32 $0x80, s22;
	(ifvalue) =	ssetifvalue $0x7FFFFFFF  }
0x64: {  	[tilespmem:s21], [sflag:$0x1] =	stream.indirect_vreg.gather [hbm4b:s4+s10], $0x1, v3, vm0, $0x4038;
	[tilespmem:$0x1E600] =	vst v63  }
0x65: {  	(ifvalue) =	ssetifvalue $0x7FFFFFFF  }
0x66: {  	s21 =	sadd.s32 $0x100, s22;
	(ifvalue) =	ssetifvalue $0x7FFFFFFF  }
0x67: {  	[tilespmem:s21], [sflag:$0x1] =	stream.indirect_vreg.gather [hbm4b:s4+s10], $0x1, v4, vm0, $0x4038;
	[tilespmem:$0x1E600] =	vst v63  }
0x68: {  	(ifvalue) =	ssetifvalue $0x7FFFFFFF  }
0x69: {  	s21 =	sadd.s32 $0x180, s22;
	(ifvalue) =	ssetifvalue $0x7FFFFFFF  }
0x6a: {  	[tilespmem:s21], [sflag:$0x1] =	stream.indirect_vreg.gather [hbm4b:s4+s10], $0x1, v5, vm0, $0x4038;
	[tilespmem:$0x1E600] =	vst v63  }
0x6b: {  	s17 =	sadd.s32 $0xFFFFFFF0, s17;
	(ifvalue) =	ssetifvalue $0x7FFFFFFF  }
0x6c: {  	s18 =	sadd.s32 $0x10, s18;
	s21 =	sadd.s32 $0x200, s22;
	(ifvalue) =	ssetifvalue $0x7FFFFFFF  }
0x6d: {  	[tilespmem:s21], [sflag:$0x1] =	stream.indirect_vreg.gather [hbm4b:s4+s10], $0x1, v6, vm0, $0x4038;
	[tilespmem:$0x1E600] =	vst v63  }
0x6e: {  	s19 =	sadd.s32 $0x80, s19;
	s21 =	sadd.s32 $0x280, s22;
	(ifvalue) =	ssetifvalue $0x7FFFFFFF  }
.Ltmp3:
0x6f: {  	s23 =	sand.u32 $0x7, s20;
	(ifvalue) =	ssetifvalue $0x7FFFFFFF;
	(pc) =	sbr.rel @p1 .LBB2_3-.Ltmp3, $4  }
0x70: {  	[tilespmem:s21], [sflag:$0x1] =	stream.indirect_vreg.gather [hbm4b:s4+s10], $0x1, v7, vm0, $0x4038;
	[tilespmem:$0x1E600] =	vst v63  }
0x71: {  	s20 =	sadd.s32 $0x1, s20;
	s21 =	sshll.u32 s23, $0x4;
	(ifvalue) =	ssetifvalue $0x7FFFFFFF  }
0x72: {  	s22 =	sadd.s32 $0x300, s22;
	s21 =	sadd.s32 s21, s15;
	(ifvalue) =	ssetifvalue $0x7FFFFFFF  }
0x73: {  	[tilespmem:s22], [sflag:$0x1] =	stream.indirect_vreg.gather [hbm4b:s4+s10], $0x1, v8, vm0, $0x4038;
	[tilespmem:$0x1E600] =	vst v63  }
.Ltmp4:
0x74: {  	_ = 	snop;
	(pc) =	sbr.rel .LBB2_4-.Ltmp4, $1  }
0x75: {  	_ =	sdelay $0x3  }
.LBB2_6:
0x76: {  	_ =	sfence.sel $0x180000  }
0x77: {  	s2 =	simm.s32 $0x2;
	[bflag:$0x0] =	sbarrier.arrive $0xFFFF  }
0x78: {  	s30 =	simm.s32 $0x3;
	[sflag:s2] =	ssyncpa.u1 $0x1  }
0x79: {  	s31 =	simm.s32 $0x1;
	[sflag:s30] =	ssyncpa.u1 $0x1  }
0x7a: {  	[sflag:s31] =	ssyncpa.u1 $0x1  }
0x7b: {  	p0 =	sne.s32 s0, $0x0;
	_ =	strace $0x90000047  }
0x7c: {  	s0 =	sadd.s32 @!p0 $0x100000, s1;
	[bflag:$0x2] =	sbarrier.arrive $0xFFFF  }
0x7d: {  	[sflag:s0] =	ssyncadd.tile.s32 @!p0 $0x1;
	_ =	shalt  }
.Lfunc_end2:
_tile_overlayer_lowered:
.L_overlay_start_2:
0x7e: {  	(tag) =	ssettag $0x2  }
0x7f: {  	s0 =	rddreg [dreg:$0x0];
	s2 =	stileid.u32  }
0x80: {  	s1 =	rddreg [dreg:$0x1];
	p0 =	sne.s32 s2, $0x0  }
0x81: {  	s3 =	rddreg [dreg:$0x2];
	[bflag:$0x3] =	sbarrier.arrive $0xFFFF;
	s2 =	simm.s32 @!p0 $0x1C01  }
0x82: {  	[timem:s3], [sflag:s2] =	dma.local @!p0 [hbm:s0], s1  }
0x83: {  	s0 =	simm.s32 @!p0 $0x1  }
0x84: {  	_ =	swait.ge @!p0 [sflag:s0], s1  }
0x85: {  	s1 =	ssub.s32 @!p0 $0x0, s1;
	[sflag:s0] =	ssyncset.done @!p0 $0x0  }
0x86: {  	[sflag:s0] =	ssyncadd.s32 @!p0 s1  }
0x87: {  	[bflag:$0x3] =	sbarrier.arrive $0xFFFF  }
0x88: {  	_ =	shalt  }

</sc_bundles>
